<compile_context>
chip_gen: v7x
topology: tpu7x:2x2x1
jax: 0.10.2.dev20260603
libtpu: 0.0.44.dev20260713+nightly
codegen_flags: <defaults>
</compile_context>

<pallas_src>
import functools

import jax
import jax.numpy as jnp
from jax import lax
from jax.experimental import pallas as pl
from jax.experimental.pallas import tpu as pltpu
from jax.experimental.pallas import tpu_sc as plsc

_BATCH = 16384
_K = 32
_NC = 2
_NS = 16
_NW = _NC * _NS
_BPW = _BATCH // _NW
_CHUNK = 128
_NCHUNK = _BPW // _CHUNK
_LANES = 16


def _dot_body(uidx_hbm, iidx_hbm, w_hbm, h_hbm, out_hbm,
              uidx_v, iidx_v, urows_v, vrows_v, out_v, sem):
    cid = lax.axis_index("c")
    sid = lax.axis_index("s")
    wid = sid * _NC + cid
    base = wid * _BPW

    pltpu.sync_copy(uidx_hbm.at[pl.ds(wid * _NCHUNK, _NCHUNK)], uidx_v)
    pltpu.sync_copy(iidx_hbm.at[pl.ds(wid * _NCHUNK, _NCHUNK)], iidx_v)

    copies = []
    for j in range(_NCHUNK):
        copies.append(pltpu.async_copy(
            w_hbm.at[uidx_v.at[j]], urows_v.at[pl.ds(j * _CHUNK, _CHUNK)], sem))
        copies.append(pltpu.async_copy(
            h_hbm.at[iidx_v.at[j]], vrows_v.at[pl.ds(j * _CHUNK, _CHUNK)], sem))
    for c in copies:
        c.wait()

    lane = lax.iota(jnp.int32, 16)

    def group(g, carry):
        acc = jnp.zeros((16,), jnp.float32)
        for j in range(_LANES):
            i = g * _LANES + j
            u0 = urows_v[i, pl.ds(0, 16)]
            u1 = urows_v[i, pl.ds(16, 16)]
            v0 = vrows_v[i, pl.ds(0, 16)]
            v1 = vrows_v[i, pl.ds(16, 16)]
            q = u0 * v0 + u1 * v1
            acc = jnp.where(lane == j, jnp.sum(q), acc)
        out_v[pl.ds(g * _LANES, _LANES)] = acc
        return carry

    lax.fori_loop(0, _BPW // _LANES, group, 0)

    pltpu.sync_copy(out_v, out_hbm.at[pl.ds(base, _BPW)])


@jax.jit
def _mf_dot(uidx, iidx, w, h):
    mesh = plsc.VectorSubcoreMesh(core_axis_name="c", subcore_axis_name="s")
    kfn = functools.partial(
        pl.kernel,
        mesh=mesh,
        compiler_params=pltpu.CompilerParams(
            needs_layout_passes=False, use_tc_tiling_on_sc=False),
        out_type=jax.ShapeDtypeStruct((_BATCH,), jnp.float32),
        scratch_types=[
            pltpu.VMEM((_NCHUNK, _CHUNK), jnp.int32),
            pltpu.VMEM((_NCHUNK, _CHUNK), jnp.int32),
            pltpu.VMEM((_BPW, _K), jnp.float32),
            pltpu.VMEM((_BPW, _K), jnp.float32),
            pltpu.VMEM((_BPW,), jnp.float32),
            pltpu.SemaphoreType.DMA,
        ],
    )(_dot_body)
    return kfn(uidx, iidx, w, h)


def kernel(x, W, H):
    uidx = x[:, 0].astype(jnp.int32).reshape(_NW * _NCHUNK, _CHUNK)
    iidx = x[:, 1].astype(jnp.int32).reshape(_NW * _NCHUNK, _CHUNK)
    return _mf_dot(uidx, iidx, W, H)

# --- scband reference (transcript-rebuilt; emitter-appended) ---
"""Pipeline reference for scband-mf-cvib-77455440216509 (READ-ONLY COPY).

The authoritative reference and input builder live on the scoring server;
editing this copy changes nothing except your own understanding.
"""

import jax, jax.numpy as jnp
import numpy as np

NUM_USERS = 1000000
NUM_ITEMS = 1000000
EMBED_K = 32
BATCH = 16384

def setup_inputs(seed: int = 0) -> dict:
    key = jax.random.key(seed)
    k_x, k_w, k_h = jax.random.split(key, 3)
    x = jax.random.randint(k_x, (BATCH, 2), 0, NUM_USERS, dtype=jnp.int64) if jax.config.jax_enable_x64 else jax.random.randint(k_x, (BATCH, 2), 0, NUM_USERS, dtype=jnp.int32)
    # Embedding tables (learned params), init like torch.nn.Embedding (N(0,1))
    W = jax.random.normal(k_w, (NUM_USERS, EMBED_K), dtype=jnp.float32)
    H = jax.random.normal(k_h, (NUM_ITEMS, EMBED_K), dtype=jnp.float32)
    return {"x": x, "W": W, "H": H}

def reference(x, W, H):
    # MF_CVIB.forward(x, is_training=False)
    user_idx = x[:, 0]
    item_idx = x[:, 1]
    U_emb = jnp.take(W, user_idx, axis=0)
    V_emb = jnp.take(H, item_idx, axis=0)
    out = jnp.sum(U_emb * V_emb, axis=1)
    return out

if __name__ == "__main__":
    import jax
    _d = setup_inputs()
    print(jax.jit(kernel)(*tuple(_d.values())))

</pallas_src>

<mosaic_0001>
#map = affine_map<(d0, d1) -> (0, 0)>
#map1 = affine_map<(d0, d1) -> (0)>
module attributes {stable_mosaic.version = 14 : i64} {
  func.func @_dot_body(%arg0: i32, %arg1: i32, %arg2: memref<128x128xi32, #tpu.memory_space<hbm>>, %arg3: memref<128x128xi32, #tpu.memory_space<hbm>>, %arg4: memref<1000000x32xf32, #tpu.memory_space<hbm>>, %arg5: memref<1000000x32xf32, #tpu.memory_space<hbm>>, %arg6: memref<16384xf32, #tpu.memory_space<hbm>>, %arg7: memref<4x128xi32, #tpu.memory_space<vmem>>, %arg8: memref<4x128xi32, #tpu.memory_space<vmem>>, %arg9: memref<512x32xf32, #tpu.memory_space<vmem>>, %arg10: memref<512x32xf32, #tpu.memory_space<vmem>>, %arg11: memref<512xf32, #tpu.memory_space<vmem>>, %arg12: memref<!tpu.dma_semaphore, #tpu.memory_space<semaphore_mem>>) attributes {dimension_semantics = [#tpu.dimension_semantics<core_parallel>, #tpu.dimension_semantics<subcore_parallel>], iteration_bounds = array<i64: 2, 16>, scalar_prefetch = 0 : i64, scratch_operands = 6 : i64, tpu.core_type = #tpu.core_type<sc_vector_subcore>, window_params = [{transform_indices = #map}, {transform_indices = #map}, {transform_indices = #map}, {transform_indices = #map}, {transform_indices = #map1}]} {
    %mul3A = arith.constant 2 : i32
    %mul3A_0 = arith.muli %arg1, %mul3A : i32
    %add3A = arith.addi %mul3A_0, %arg0 : i32
    %mul3A_1 = arith.constant 512 : i32
    %mul3A_2 = arith.muli %add3A, %mul3A_1 : i32
    %mul3A_3 = arith.constant 4 : i32
    %mul3A_4 = arith.muli %add3A, %mul3A_3 : i32
    "tpu.region"() ({
      %run_scoped3A = tpu.sem_alloc : memref<!tpu.dma_semaphore, #tpu.memory_space<semaphore_mem>>
      %dma_start3A_170 = arith.constant 0 : i32
      %dma_start3A_171 = tpu.memref_slice %arg2[%mul3A_4, %dma_start3A_170] : memref<128x128xi32, #tpu.memory_space<hbm>> -> memref<4x128xi32, #tpu.memory_space<hbm>>
      %dma_start3A_172 = arith.constant 0 : i32
      %dma_start3A_173 = tpu.memref_slice %arg2[%mul3A_4, %dma_start3A_172] : memref<128x128xi32, #tpu.memory_space<hbm>> -> memref<4x128xi32, #tpu.memory_space<hbm>>
      tpu.enqueue_dma source(%dma_start3A_173 : memref<4x128xi32, #tpu.memory_space<hbm>>) target(%arg7 : memref<4x128xi32, #tpu.memory_space<vmem>>) target_semaphore(%run_scoped3A : memref<!tpu.dma_semaphore, #tpu.memory_space<semaphore_mem>>)
      %dma_wait3A_174 = arith.constant 0 : i32
      %dma_wait3A_175 = tpu.memref_slice %arg2[%mul3A_4, %dma_wait3A_174] : memref<128x128xi32, #tpu.memory_space<hbm>> -> memref<4x128xi32, #tpu.memory_space<hbm>>
      %dma_wait3A_176 = arith.constant 0 : i32
      %dma_wait3A_177 = tpu.memref_slice %arg2[%mul3A_4, %dma_wait3A_176] : memref<128x128xi32, #tpu.memory_space<hbm>> -> memref<4x128xi32, #tpu.memory_space<hbm>>
      tpu.wait_dma2 semaphore(%run_scoped3A : memref<!tpu.dma_semaphore, #tpu.memory_space<semaphore_mem>>) src(%dma_wait3A_177 : memref<4x128xi32, #tpu.memory_space<hbm>>) dst(%arg7 : memref<4x128xi32, #tpu.memory_space<vmem>>)
      tpu.yield
    }) : () -> ()
    %mul3A_5 = arith.constant 4 : i32
    %mul3A_6 = arith.muli %add3A, %mul3A_5 : i32
    "tpu.region"() ({
      %run_scoped3A = tpu.sem_alloc : memref<!tpu.dma_semaphore, #tpu.memory_space<semaphore_mem>>
      %dma_start3A_170 = arith.constant 0 : i32
      %dma_start3A_171 = tpu.memref_slice %arg3[%mul3A_6, %dma_start3A_170] : memref<128x128xi32, #tpu.memory_space<hbm>> -> memref<4x128xi32, #tpu.memory_space<hbm>>
      %dma_start3A_172 = arith.constant 0 : i32
      %dma_start3A_173 = tpu.memref_slice %arg3[%mul3A_6, %dma_start3A_172] : memref<128x128xi32, #tpu.memory_space<hbm>> -> memref<4x128xi32, #tpu.memory_space<hbm>>
      tpu.enqueue_dma source(%dma_start3A_173 : memref<4x128xi32, #tpu.memory_space<hbm>>) target(%arg8 : memref<4x128xi32, #tpu.memory_space<vmem>>) target_semaphore(%run_scoped3A : memref<!tpu.dma_semaphore, #tpu.memory_space<semaphore_mem>>)
      %dma_wait3A_174 = arith.constant 0 : i32
      %dma_wait3A_175 = tpu.memref_slice %arg3[%mul3A_6, %dma_wait3A_174] : memref<128x128xi32, #tpu.memory_space<hbm>> -> memref<4x128xi32, #tpu.memory_space<hbm>>
      %dma_wait3A_176 = arith.constant 0 : i32
      %dma_wait3A_177 = tpu.memref_slice %arg3[%mul3A_6, %dma_wait3A_176] : memref<128x128xi32, #tpu.memory_space<hbm>> -> memref<4x128xi32, #tpu.memory_space<hbm>>
      tpu.wait_dma2 semaphore(%run_scoped3A : memref<!tpu.dma_semaphore, #tpu.memory_space<semaphore_mem>>) src(%dma_wait3A_177 : memref<4x128xi32, #tpu.memory_space<hbm>>) dst(%arg8 : memref<4x128xi32, #tpu.memory_space<vmem>>)
      tpu.yield
    }) : () -> ()
    %dma_start3A = arith.constant 0 : i32
    %dma_start3A_7 = arith.constant 0 : i32
    %dma_start3A_8 = arith.constant 0 : i32
    %dma_start3A_9 = tpu.memref_slice %arg9[%dma_start3A_7, %dma_start3A_8] : memref<512x32xf32, #tpu.memory_space<vmem>> -> memref<128x32xf32, #tpu.memory_space<vmem>>
    %dma_start3A_10 = arith.constant 0 : i32
    %dma_start3A_11 = tpu.memref_slice %arg7[%dma_start3A, %dma_start3A_10] : memref<4x128xi32, #tpu.memory_space<vmem>> -> memref<1x128xi32, #tpu.memory_space<vmem>>
    %dma_start3A_12 = tpu.memref_squeeze %dma_start3A_11 : memref<1x128xi32, #tpu.memory_space<vmem>> -> memref<128xi32, #tpu.memory_space<vmem>>
    %dma_start3A_13 = arith.constant 0 : i32
    %dma_start3A_14 = arith.constant 0 : i32
    %dma_start3A_15 = tpu.memref_slice %arg4[%dma_start3A_13, %dma_start3A_14] : memref<1000000x32xf32, #tpu.memory_space<hbm>> -> memref<1000000x32xf32, #tpu.memory_space<hbm>>
    tpu.enqueue_indirect_dma source(%dma_start3A_15 : memref<1000000x32xf32, #tpu.memory_space<hbm>>) target(%dma_start3A_9 : memref<128x32xf32, #tpu.memory_space<vmem>>) offsets(%dma_start3A_12 : memref<128xi32, #tpu.memory_space<vmem>>) semaphore(%arg12 : memref<!tpu.dma_semaphore, #tpu.memory_space<semaphore_mem>>)
    %dma_start3A_16 = arith.constant 0 : i32
    %dma_start3A_17 = arith.constant 0 : i32
    %dma_start3A_18 = arith.constant 0 : i32
    %dma_start3A_19 = tpu.memref_slice %arg10[%dma_start3A_17, %dma_start3A_18] : memref<512x32xf32, #tpu.memory_space<vmem>> -> memref<128x32xf32, #tpu.memory_space<vmem>>
    %dma_start3A_20 = arith.constant 0 : i32
    %dma_start3A_21 = tpu.memref_slice %arg8[%dma_start3A_16, %dma_start3A_20] : memref<4x128xi32, #tpu.memory_space<vmem>> -> memref<1x128xi32, #tpu.memory_space<vmem>>
    %dma_start3A_22 = tpu.memref_squeeze %dma_start3A_21 : memref<1x128xi32, #tpu.memory_space<vmem>> -> memref<128xi32, #tpu.memory_space<vmem>>
    %dma_start3A_23 = arith.constant 0 : i32
    %dma_start3A_24 = arith.constant 0 : i32
    %dma_start3A_25 = tpu.memref_slice %arg5[%dma_start3A_23, %dma_start3A_24] : memref<1000000x32xf32, #tpu.memory_space<hbm>> -> memref<1000000x32xf32, #tpu.memory_space<hbm>>
    tpu.enqueue_indirect_dma source(%dma_start3A_25 : memref<1000000x32xf32, #tpu.memory_space<hbm>>) target(%dma_start3A_19 : memref<128x32xf32, #tpu.memory_space<vmem>>) offsets(%dma_start3A_22 : memref<128xi32, #tpu.memory_space<vmem>>) semaphore(%arg12 : memref<!tpu.dma_semaphore, #tpu.memory_space<semaphore_mem>>)
    %dma_start3A_26 = arith.constant 1 : i32
    %dma_start3A_27 = arith.constant 128 : i32
    %dma_start3A_28 = arith.constant 0 : i32
    %dma_start3A_29 = tpu.memref_slice %arg9[%dma_start3A_27, %dma_start3A_28] : memref<512x32xf32, #tpu.memory_space<vmem>> -> memref<128x32xf32, #tpu.memory_space<vmem>>
    %dma_start3A_30 = arith.constant 0 : i32
    %dma_start3A_31 = tpu.memref_slice %arg7[%dma_start3A_26, %dma_start3A_30] : memref<4x128xi32, #tpu.memory_space<vmem>> -> memref<1x128xi32, #tpu.memory_space<vmem>>
    %dma_start3A_32 = tpu.memref_squeeze %dma_start3A_31 : memref<1x128xi32, #tpu.memory_space<vmem>> -> memref<128xi32, #tpu.memory_space<vmem>>
    %dma_start3A_33 = arith.constant 0 : i32
    %dma_start3A_34 = arith.constant 0 : i32
    %dma_start3A_35 = tpu.memref_slice %arg4[%dma_start3A_33, %dma_start3A_34] : memref<1000000x32xf32, #tpu.memory_space<hbm>> -> memref<1000000x32xf32, #tpu.memory_space<hbm>>
    tpu.enqueue_indirect_dma source(%dma_start3A_35 : memref<1000000x32xf32, #tpu.memory_space<hbm>>) target(%dma_start3A_29 : memref<128x32xf32, #tpu.memory_space<vmem>>) offsets(%dma_start3A_32 : memref<128xi32, #tpu.memory_space<vmem>>) semaphore(%arg12 : memref<!tpu.dma_semaphore, #tpu.memory_space<semaphore_mem>>)
    %dma_start3A_36 = arith.constant 1 : i32
    %dma_start3A_37 = arith.constant 128 : i32
    %dma_start3A_38 = arith.constant 0 : i32
    %dma_start3A_39 = tpu.memref_slice %arg10[%dma_start3A_37, %dma_start3A_38] : memref<512x32xf32, #tpu.memory_space<vmem>> -> memref<128x32xf32, #tpu.memory_space<vmem>>
    %dma_start3A_40 = arith.constant 0 : i32
    %dma_start3A_41 = tpu.memref_slice %arg8[%dma_start3A_36, %dma_start3A_40] : memref<4x128xi32, #tpu.memory_space<vmem>> -> memref<1x128xi32, #tpu.memory_space<vmem>>
    %dma_start3A_42 = tpu.memref_squeeze %dma_start3A_41 : memref<1x128xi32, #tpu.memory_space<vmem>> -> memref<128xi32, #tpu.memory_space<vmem>>
    %dma_start3A_43 = arith.constant 0 : i32
    %dma_start3A_44 = arith.constant 0 : i32
    %dma_start3A_45 = tpu.memref_slice %arg5[%dma_start3A_43, %dma_start3A_44] : memref<1000000x32xf32, #tpu.memory_space<hbm>> -> memref<1000000x32xf32, #tpu.memory_space<hbm>>
    tpu.enqueue_indirect_dma source(%dma_start3A_45 : memref<1000000x32xf32, #tpu.memory_space<hbm>>) target(%dma_start3A_39 : memref<128x32xf32, #tpu.memory_space<vmem>>) offsets(%dma_start3A_42 : memref<128xi32, #tpu.memory_space<vmem>>) semaphore(%arg12 : memref<!tpu.dma_semaphore, #tpu.memory_space<semaphore_mem>>)
    %dma_start3A_46 = arith.constant 2 : i32
    %dma_start3A_47 = arith.constant 256 : i32
    %dma_start3A_48 = arith.constant 0 : i32
    %dma_start3A_49 = tpu.memref_slice %arg9[%dma_start3A_47, %dma_start3A_48] : memref<512x32xf32, #tpu.memory_space<vmem>> -> memref<128x32xf32, #tpu.memory_space<vmem>>
    %dma_start3A_50 = arith.constant 0 : i32
    %dma_start3A_51 = tpu.memref_slice %arg7[%dma_start3A_46, %dma_start3A_50] : memref<4x128xi32, #tpu.memory_space<vmem>> -> memref<1x128xi32, #tpu.memory_space<vmem>>
    %dma_start3A_52 = tpu.memref_squeeze %dma_start3A_51 : memref<1x128xi32, #tpu.memory_space<vmem>> -> memref<128xi32, #tpu.memory_space<vmem>>
    %dma_start3A_53 = arith.constant 0 : i32
    %dma_start3A_54 = arith.constant 0 : i32
    %dma_start3A_55 = tpu.memref_slice %arg4[%dma_start3A_53, %dma_start3A_54] : memref<1000000x32xf32, #tpu.memory_space<hbm>> -> memref<1000000x32xf32, #tpu.memory_space<hbm>>
    tpu.enqueue_indirect_dma source(%dma_start3A_55 : memref<1000000x32xf32, #tpu.memory_space<hbm>>) target(%dma_start3A_49 : memref<128x32xf32, #tpu.memory_space<vmem>>) offsets(%dma_start3A_52 : memref<128xi32, #tpu.memory_space<vmem>>) semaphore(%arg12 : memref<!tpu.dma_semaphore, #tpu.memory_space<semaphore_mem>>)
    %dma_start3A_56 = arith.constant 2 : i32
    %dma_start3A_57 = arith.constant 256 : i32
    %dma_start3A_58 = arith.constant 0 : i32
    %dma_start3A_59 = tpu.memref_slice %arg10[%dma_start3A_57, %dma_start3A_58] : memref<512x32xf32, #tpu.memory_space<vmem>> -> memref<128x32xf32, #tpu.memory_space<vmem>>
    %dma_start3A_60 = arith.constant 0 : i32
    %dma_start3A_61 = tpu.memref_slice %arg8[%dma_start3A_56, %dma_start3A_60] : memref<4x128xi32, #tpu.memory_space<vmem>> -> memref<1x128xi32, #tpu.memory_space<vmem>>
    %dma_start3A_62 = tpu.memref_squeeze %dma_start3A_61 : memref<1x128xi32, #tpu.memory_space<vmem>> -> memref<128xi32, #tpu.memory_space<vmem>>
    %dma_start3A_63 = arith.constant 0 : i32
    %dma_start3A_64 = arith.constant 0 : i32
    %dma_start3A_65 = tpu.memref_slice %arg5[%dma_start3A_63, %dma_start3A_64] : memref<1000000x32xf32, #tpu.memory_space<hbm>> -> memref<1000000x32xf32, #tpu.memory_space<hbm>>
    tpu.enqueue_indirect_dma source(%dma_start3A_65 : memref<1000000x32xf32, #tpu.memory_space<hbm>>) target(%dma_start3A_59 : memref<128x32xf32, #tpu.memory_space<vmem>>) offsets(%dma_start3A_62 : memref<128xi32, #tpu.memory_space<vmem>>) semaphore(%arg12 : memref<!tpu.dma_semaphore, #tpu.memory_space<semaphore_mem>>)
    %dma_start3A_66 = arith.constant 3 : i32
    %dma_start3A_67 = arith.constant 384 : i32
    %dma_start3A_68 = arith.constant 0 : i32
    %dma_start3A_69 = tpu.memref_slice %arg9[%dma_start3A_67, %dma_start3A_68] : memref<512x32xf32, #tpu.memory_space<vmem>> -> memref<128x32xf32, #tpu.memory_space<vmem>>
    %dma_start3A_70 = arith.constant 0 : i32
    %dma_start3A_71 = tpu.memref_slice %arg7[%dma_start3A_66, %dma_start3A_70] : memref<4x128xi32, #tpu.memory_space<vmem>> -> memref<1x128xi32, #tpu.memory_space<vmem>>
    %dma_start3A_72 = tpu.memref_squeeze %dma_start3A_71 : memref<1x128xi32, #tpu.memory_space<vmem>> -> memref<128xi32, #tpu.memory_space<vmem>>
    %dma_start3A_73 = arith.constant 0 : i32
    %dma_start3A_74 = arith.constant 0 : i32
    %dma_start3A_75 = tpu.memref_slice %arg4[%dma_start3A_73, %dma_start3A_74] : memref<1000000x32xf32, #tpu.memory_space<hbm>> -> memref<1000000x32xf32, #tpu.memory_space<hbm>>
    tpu.enqueue_indirect_dma source(%dma_start3A_75 : memref<1000000x32xf32, #tpu.memory_space<hbm>>) target(%dma_start3A_69 : memref<128x32xf32, #tpu.memory_space<vmem>>) offsets(%dma_start3A_72 : memref<128xi32, #tpu.memory_space<vmem>>) semaphore(%arg12 : memref<!tpu.dma_semaphore, #tpu.memory_space<semaphore_mem>>)
    %dma_start3A_76 = arith.constant 3 : i32
    %dma_start3A_77 = arith.constant 384 : i32
    %dma_start3A_78 = arith.constant 0 : i32
    %dma_start3A_79 = tpu.memref_slice %arg10[%dma_start3A_77, %dma_start3A_78] : memref<512x32xf32, #tpu.memory_space<vmem>> -> memref<128x32xf32, #tpu.memory_space<vmem>>
    %dma_start3A_80 = arith.constant 0 : i32
    %dma_start3A_81 = tpu.memref_slice %arg8[%dma_start3A_76, %dma_start3A_80] : memref<4x128xi32, #tpu.memory_space<vmem>> -> memref<1x128xi32, #tpu.memory_space<vmem>>
    %dma_start3A_82 = tpu.memref_squeeze %dma_start3A_81 : memref<1x128xi32, #tpu.memory_space<vmem>> -> memref<128xi32, #tpu.memory_space<vmem>>
    %dma_start3A_83 = arith.constant 0 : i32
    %dma_start3A_84 = arith.constant 0 : i32
    %dma_start3A_85 = tpu.memref_slice %arg5[%dma_start3A_83, %dma_start3A_84] : memref<1000000x32xf32, #tpu.memory_space<hbm>> -> memref<1000000x32xf32, #tpu.memory_space<hbm>>
    tpu.enqueue_indirect_dma source(%dma_start3A_85 : memref<1000000x32xf32, #tpu.memory_space<hbm>>) target(%dma_start3A_79 : memref<128x32xf32, #tpu.memory_space<vmem>>) offsets(%dma_start3A_82 : memref<128xi32, #tpu.memory_space<vmem>>) semaphore(%arg12 : memref<!tpu.dma_semaphore, #tpu.memory_space<semaphore_mem>>)
    %dma_wait3A = arith.constant 0 : i32
    %dma_wait3A_86 = arith.constant 0 : i32
    %dma_wait3A_87 = arith.constant 0 : i32
    %dma_wait3A_88 = tpu.memref_slice %arg9[%dma_wait3A_86, %dma_wait3A_87] : memref<512x32xf32, #tpu.memory_space<vmem>> -> memref<128x32xf32, #tpu.memory_space<vmem>>
    %dma_wait3A_89 = arith.constant 0 : i32
    %dma_wait3A_90 = tpu.memref_slice %arg7[%dma_wait3A, %dma_wait3A_89] : memref<4x128xi32, #tpu.memory_space<vmem>> -> memref<1x128xi32, #tpu.memory_space<vmem>>
    %dma_wait3A_91 = tpu.memref_squeeze %dma_wait3A_90 : memref<1x128xi32, #tpu.memory_space<vmem>> -> memref<128xi32, #tpu.memory_space<vmem>>
    %dma_wait3A_92 = arith.constant 0 : i32
    %dma_wait3A_93 = arith.constant 0 : i32
    %dma_wait3A_94 = tpu.memref_slice %arg4[%dma_wait3A_92, %dma_wait3A_93] : memref<1000000x32xf32, #tpu.memory_space<hbm>> -> memref<1000000x32xf32, #tpu.memory_space<hbm>>
    tpu.wait_indirect_dma semaphore(%arg12 : memref<!tpu.dma_semaphore, #tpu.memory_space<semaphore_mem>>) src(%dma_wait3A_94 : memref<1000000x32xf32, #tpu.memory_space<hbm>>) dst(%dma_wait3A_88 : memref<128x32xf32, #tpu.memory_space<vmem>>)
    %dma_wait3A_95 = arith.constant 0 : i32
    %dma_wait3A_96 = arith.constant 0 : i32
    %dma_wait3A_97 = arith.constant 0 : i32
    %dma_wait3A_98 = tpu.memref_slice %arg10[%dma_wait3A_96, %dma_wait3A_97] : memref<512x32xf32, #tpu.memory_space<vmem>> -> memref<128x32xf32, #tpu.memory_space<vmem>>
    %dma_wait3A_99 = arith.constant 0 : i32
    %dma_wait3A_100 = tpu.memref_slice %arg8[%dma_wait3A_95, %dma_wait3A_99] : memref<4x128xi32, #tpu.memory_space<vmem>> -> memref<1x128xi32, #tpu.memory_space<vmem>>
    %dma_wait3A_101 = tpu.memref_squeeze %dma_wait3A_100 : memref<1x128xi32, #tpu.memory_space<vmem>> -> memref<128xi32, #tpu.memory_space<vmem>>
    %dma_wait3A_102 = arith.constant 0 : i32
    %dma_wait3A_103 = arith.constant 0 : i32
    %dma_wait3A_104 = tpu.memref_slice %arg5[%dma_wait3A_102, %dma_wait3A_103] : memref<1000000x32xf32, #tpu.memory_space<hbm>> -> memref<1000000x32xf32, #tpu.memory_space<hbm>>
    tpu.wait_indirect_dma semaphore(%arg12 : memref<!tpu.dma_semaphore, #tpu.memory_space<semaphore_mem>>) src(%dma_wait3A_104 : memref<1000000x32xf32, #tpu.memory_space<hbm>>) dst(%dma_wait3A_98 : memref<128x32xf32, #tpu.memory_space<vmem>>)
    %dma_wait3A_105 = arith.constant 1 : i32
    %dma_wait3A_106 = arith.constant 128 : i32
    %dma_wait3A_107 = arith.constant 0 : i32
    %dma_wait3A_108 = tpu.memref_slice %arg9[%dma_wait3A_106, %dma_wait3A_107] : memref<512x32xf32, #tpu.memory_space<vmem>> -> memref<128x32xf32, #tpu.memory_space<vmem>>
    %dma_wait3A_109 = arith.constant 0 : i32
    %dma_wait3A_110 = tpu.memref_slice %arg7[%dma_wait3A_105, %dma_wait3A_109] : memref<4x128xi32, #tpu.memory_space<vmem>> -> memref<1x128xi32, #tpu.memory_space<vmem>>
    %dma_wait3A_111 = tpu.memref_squeeze %dma_wait3A_110 : memref<1x128xi32, #tpu.memory_space<vmem>> -> memref<128xi32, #tpu.memory_space<vmem>>
    %dma_wait3A_112 = arith.constant 0 : i32
    %dma_wait3A_113 = arith.constant 0 : i32
    %dma_wait3A_114 = tpu.memref_slice %arg4[%dma_wait3A_112, %dma_wait3A_113] : memref<1000000x32xf32, #tpu.memory_space<hbm>> -> memref<1000000x32xf32, #tpu.memory_space<hbm>>
    tpu.wait_indirect_dma semaphore(%arg12 : memref<!tpu.dma_semaphore, #tpu.memory_space<semaphore_mem>>) src(%dma_wait3A_114 : memref<1000000x32xf32, #tpu.memory_space<hbm>>) dst(%dma_wait3A_108 : memref<128x32xf32, #tpu.memory_space<vmem>>)
    %dma_wait3A_115 = arith.constant 1 : i32
    %dma_wait3A_116 = arith.constant 128 : i32
    %dma_wait3A_117 = arith.constant 0 : i32
    %dma_wait3A_118 = tpu.memref_slice %arg10[%dma_wait3A_116, %dma_wait3A_117] : memref<512x32xf32, #tpu.memory_space<vmem>> -> memref<128x32xf32, #tpu.memory_space<vmem>>
    %dma_wait3A_119 = arith.constant 0 : i32
    %dma_wait3A_120 = tpu.memref_slice %arg8[%dma_wait3A_115, %dma_wait3A_119] : memref<4x128xi32, #tpu.memory_space<vmem>> -> memref<1x128xi32, #tpu.memory_space<vmem>>
    %dma_wait3A_121 = tpu.memref_squeeze %dma_wait3A_120 : memref<1x128xi32, #tpu.memory_space<vmem>> -> memref<128xi32, #tpu.memory_space<vmem>>
    %dma_wait3A_122 = arith.constant 0 : i32
    %dma_wait3A_123 = arith.constant 0 : i32
    %dma_wait3A_124 = tpu.memref_slice %arg5[%dma_wait3A_122, %dma_wait3A_123] : memref<1000000x32xf32, #tpu.memory_space<hbm>> -> memref<1000000x32xf32, #tpu.memory_space<hbm>>
    tpu.wait_indirect_dma semaphore(%arg12 : memref<!tpu.dma_semaphore, #tpu.memory_space<semaphore_mem>>) src(%dma_wait3A_124 : memref<1000000x32xf32, #tpu.memory_space<hbm>>) dst(%dma_wait3A_118 : memref<128x32xf32, #tpu.memory_space<vmem>>)
    %dma_wait3A_125 = arith.constant 2 : i32
    %dma_wait3A_126 = arith.constant 256 : i32
    %dma_wait3A_127 = arith.constant 0 : i32
    %dma_wait3A_128 = tpu.memref_slice %arg9[%dma_wait3A_126, %dma_wait3A_127] : memref<512x32xf32, #tpu.memory_space<vmem>> -> memref<128x32xf32, #tpu.memory_space<vmem>>
    %dma_wait3A_129 = arith.constant 0 : i32
    %dma_wait3A_130 = tpu.memref_slice %arg7[%dma_wait3A_125, %dma_wait3A_129] : memref<4x128xi32, #tpu.memory_space<vmem>> -> memref<1x128xi32, #tpu.memory_space<vmem>>
    %dma_wait3A_131 = tpu.memref_squeeze %dma_wait3A_130 : memref<1x128xi32, #tpu.memory_space<vmem>> -> memref<128xi32, #tpu.memory_space<vmem>>
    %dma_wait3A_132 = arith.constant 0 : i32
    %dma_wait3A_133 = arith.constant 0 : i32
    %dma_wait3A_134 = tpu.memref_slice %arg4[%dma_wait3A_132, %dma_wait3A_133] : memref<1000000x32xf32, #tpu.memory_space<hbm>> -> memref<1000000x32xf32, #tpu.memory_space<hbm>>
    tpu.wait_indirect_dma semaphore(%arg12 : memref<!tpu.dma_semaphore, #tpu.memory_space<semaphore_mem>>) src(%dma_wait3A_134 : memref<1000000x32xf32, #tpu.memory_space<hbm>>) dst(%dma_wait3A_128 : memref<128x32xf32, #tpu.memory_space<vmem>>)
    %dma_wait3A_135 = arith.constant 2 : i32
    %dma_wait3A_136 = arith.constant 256 : i32
    %dma_wait3A_137 = arith.constant 0 : i32
    %dma_wait3A_138 = tpu.memref_slice %arg10[%dma_wait3A_136, %dma_wait3A_137] : memref<512x32xf32, #tpu.memory_space<vmem>> -> memref<128x32xf32, #tpu.memory_space<vmem>>
    %dma_wait3A_139 = arith.constant 0 : i32
    %dma_wait3A_140 = tpu.memref_slice %arg8[%dma_wait3A_135, %dma_wait3A_139] : memref<4x128xi32, #tpu.memory_space<vmem>> -> memref<1x128xi32, #tpu.memory_space<vmem>>
    %dma_wait3A_141 = tpu.memref_squeeze %dma_wait3A_140 : memref<1x128xi32, #tpu.memory_space<vmem>> -> memref<128xi32, #tpu.memory_space<vmem>>
    %dma_wait3A_142 = arith.constant 0 : i32
    %dma_wait3A_143 = arith.constant 0 : i32
    %dma_wait3A_144 = tpu.memref_slice %arg5[%dma_wait3A_142, %dma_wait3A_143] : memref<1000000x32xf32, #tpu.memory_space<hbm>> -> memref<1000000x32xf32, #tpu.memory_space<hbm>>
    tpu.wait_indirect_dma semaphore(%arg12 : memref<!tpu.dma_semaphore, #tpu.memory_space<semaphore_mem>>) src(%dma_wait3A_144 : memref<1000000x32xf32, #tpu.memory_space<hbm>>) dst(%dma_wait3A_138 : memref<128x32xf32, #tpu.memory_space<vmem>>)
    %dma_wait3A_145 = arith.constant 3 : i32
    %dma_wait3A_146 = arith.constant 384 : i32
    %dma_wait3A_147 = arith.constant 0 : i32
    %dma_wait3A_148 = tpu.memref_slice %arg9[%dma_wait3A_146, %dma_wait3A_147] : memref<512x32xf32, #tpu.memory_space<vmem>> -> memref<128x32xf32, #tpu.memory_space<vmem>>
    %dma_wait3A_149 = arith.constant 0 : i32
    %dma_wait3A_150 = tpu.memref_slice %arg7[%dma_wait3A_145, %dma_wait3A_149] : memref<4x128xi32, #tpu.memory_space<vmem>> -> memref<1x128xi32, #tpu.memory_space<vmem>>
    %dma_wait3A_151 = tpu.memref_squeeze %dma_wait3A_150 : memref<1x128xi32, #tpu.memory_space<vmem>> -> memref<128xi32, #tpu.memory_space<vmem>>
    %dma_wait3A_152 = arith.constant 0 : i32
    %dma_wait3A_153 = arith.constant 0 : i32
    %dma_wait3A_154 = tpu.memref_slice %arg4[%dma_wait3A_152, %dma_wait3A_153] : memref<1000000x32xf32, #tpu.memory_space<hbm>> -> memref<1000000x32xf32, #tpu.memory_space<hbm>>
    tpu.wait_indirect_dma semaphore(%arg12 : memref<!tpu.dma_semaphore, #tpu.memory_space<semaphore_mem>>) src(%dma_wait3A_154 : memref<1000000x32xf32, #tpu.memory_space<hbm>>) dst(%dma_wait3A_148 : memref<128x32xf32, #tpu.memory_space<vmem>>)
    %dma_wait3A_155 = arith.constant 3 : i32
    %dma_wait3A_156 = arith.constant 384 : i32
    %dma_wait3A_157 = arith.constant 0 : i32
    %dma_wait3A_158 = tpu.memref_slice %arg10[%dma_wait3A_156, %dma_wait3A_157] : memref<512x32xf32, #tpu.memory_space<vmem>> -> memref<128x32xf32, #tpu.memory_space<vmem>>
    %dma_wait3A_159 = arith.constant 0 : i32
    %dma_wait3A_160 = tpu.memref_slice %arg8[%dma_wait3A_155, %dma_wait3A_159] : memref<4x128xi32, #tpu.memory_space<vmem>> -> memref<1x128xi32, #tpu.memory_space<vmem>>
    %dma_wait3A_161 = tpu.memref_squeeze %dma_wait3A_160 : memref<1x128xi32, #tpu.memory_space<vmem>> -> memref<128xi32, #tpu.memory_space<vmem>>
    %dma_wait3A_162 = arith.constant 0 : i32
    %dma_wait3A_163 = arith.constant 0 : i32
    %dma_wait3A_164 = tpu.memref_slice %arg5[%dma_wait3A_162, %dma_wait3A_163] : memref<1000000x32xf32, #tpu.memory_space<hbm>> -> memref<1000000x32xf32, #tpu.memory_space<hbm>>
    tpu.wait_indirect_dma semaphore(%arg12 : memref<!tpu.dma_semaphore, #tpu.memory_space<semaphore_mem>>) src(%dma_wait3A_164 : memref<1000000x32xf32, #tpu.memory_space<hbm>>) dst(%dma_wait3A_158 : memref<128x32xf32, #tpu.memory_space<vmem>>)
    %iota3A = tpu.iota {dimensions = array<i32: 0>} : vector<16xi32>
    %scan3A = arith.constant 0 : i32
    %scan3A_165 = arith.constant 0 : i32
    %scan3A_166 = arith.constant 32 : i32
    %scan3A_167 = arith.addi %scan3A_165, %scan3A_166 : i32
    %scan3A_168 = arith.constant 1 : i32
    scf.for %scan3A_170 = %scan3A_165 to %scan3A_167 step %scan3A_168  : i32 {
      %broadcast_in_dim3A = arith.constant 0.000000e+00 : f32
      %broadcast_in_dim3A_171 = vector.broadcast %broadcast_in_dim3A : f32 to vector<16xf32>
      %mul3A_172 = arith.constant 16 : i32
      %mul3A_173 = arith.muli %scan3A_170, %mul3A_172 : i32
      %add3A_174 = arith.constant 0 : i32
      %add3A_175 = arith.addi %mul3A_173, %add3A_174 : i32
      %get3A = arith.index_cast %add3A_175 : i32 to index
      %get3A_176 = arith.constant 0 : index
      %get3A_177 = tpu.vector_load %arg9[%get3A, %get3A_176] {strides = array<i32>} : memref<512x32xf32, #tpu.memory_space<vmem>>, vector<16xf32>,
      %get3A_178 = arith.index_cast %add3A_175 : i32 to index
      %get3A_179 = arith.constant 16 : index
      %get3A_180 = tpu.vector_load %arg9[%get3A_178, %get3A_179] {strides = array<i32>} : memref<512x32xf32, #tpu.memory_space<vmem>>, vector<16xf32>,
      %get3A_181 = arith.index_cast %add3A_175 : i32 to index
      %get3A_182 = arith.constant 0 : index
      %get3A_183 = tpu.vector_load %arg10[%get3A_181, %get3A_182] {strides = array<i32>} : memref<512x32xf32, #tpu.memory_space<vmem>>, vector<16xf32>,
      %get3A_184 = arith.index_cast %add3A_175 : i32 to index
      %get3A_185 = arith.constant 16 : index
      %get3A_186 = tpu.vector_load %arg10[%get3A_184, %get3A_185] {strides = array<i32>} : memref<512x32xf32, #tpu.memory_space<vmem>>, vector<16xf32>,
      %mul3A_187 = arith.mulf %get3A_177, %get3A_183 : vector<16xf32>
      %mul3A_188 = arith.mulf %get3A_180, %get3A_186 : vector<16xf32>
      %add3A_189 = arith.addf %mul3A_187, %mul3A_188 : vector<16xf32>
      %eq3A = arith.constant 0 : i32
      %eq3A_190 = vector.broadcast %eq3A : i32 to vector<16xi32>
      %eq3A_191 = arith.cmpi eq, %iota3A, %eq3A_190 : vector<16xi32>
      %reduce_sum3A = arith.constant true
      %reduce_sum3A_192 = vector.broadcast %reduce_sum3A : i1 to vector<16xi1>
      %reduce_sum3A_193 = tpu.scan <sum>, %add3A_189 masked %reduce_sum3A_192 : vector<16xf32>, vector<16xi1> -> vector<16xf32>
      %reduce_sum3A_194 = vector.extract %reduce_sum3A_193[15] : f32 from vector<16xf32>
      %broadcast_in_dim3A_195 = vector.broadcast %reduce_sum3A_194 : f32 to vector<16xf32>
      %select_n3A = arith.select %eq3A_191, %broadcast_in_dim3A_195, %broadcast_in_dim3A_171 : vector<16xi1>, vector<16xf32>
      %mul3A_196 = arith.constant 16 : i32
      %mul3A_197 = arith.muli %scan3A_170, %mul3A_196 : i32
      %add3A_198 = arith.constant 1 : i32
      %add3A_199 = arith.addi %mul3A_197, %add3A_198 : i32
      %get3A_200 = arith.index_cast %add3A_199 : i32 to index
      %get3A_201 = arith.constant 0 : index
      %get3A_202 = tpu.vector_load %arg9[%get3A_200, %get3A_201] {strides = array<i32>} : memref<512x32xf32, #tpu.memory_space<vmem>>, vector<16xf32>,
      %get3A_203 = arith.index_cast %add3A_199 : i32 to index
      %get3A_204 = arith.constant 16 : index
      %get3A_205 = tpu.vector_load %arg9[%get3A_203, %get3A_204] {strides = array<i32>} : memref<512x32xf32, #tpu.memory_space<vmem>>, vector<16xf32>,
      %get3A_206 = arith.index_cast %add3A_199 : i32 to index
      %get3A_207 = arith.constant 0 : index
      %get3A_208 = tpu.vector_load %arg10[%get3A_206, %get3A_207] {strides = array<i32>} : memref<512x32xf32, #tpu.memory_space<vmem>>, vector<16xf32>,
      %get3A_209 = arith.index_cast %add3A_199 : i32 to index
      %get3A_210 = arith.constant 16 : index
      %get3A_211 = tpu.vector_load %arg10[%get3A_209, %get3A_210] {strides = array<i32>} : memref<512x32xf32, #tpu.memory_space<vmem>>, vector<16xf32>,
      %mul3A_212 = arith.mulf %get3A_202, %get3A_208 : vector<16xf32>
      %mul3A_213 = arith.mulf %get3A_205, %get3A_211 : vector<16xf32>
      %add3A_214 = arith.addf %mul3A_212, %mul3A_213 : vector<16xf32>
      %eq3A_215 = arith.constant 1 : i32
      %eq3A_216 = vector.broadcast %eq3A_215 : i32 to vector<16xi32>
      %eq3A_217 = arith.cmpi eq, %iota3A, %eq3A_216 : vector<16xi32>
      %reduce_sum3A_218 = arith.constant true
      %reduce_sum3A_219 = vector.broadcast %reduce_sum3A_218 : i1 to vector<16xi1>
      %reduce_sum3A_220 = tpu.scan <sum>, %add3A_214 masked %reduce_sum3A_219 : vector<16xf32>, vector<16xi1> -> vector<16xf32>
      %reduce_sum3A_221 = vector.extract %reduce_sum3A_220[15] : f32 from vector<16xf32>
      %broadcast_in_dim3A_222 = vector.broadcast %reduce_sum3A_221 : f32 to vector<16xf32>
      %select_n3A_223 = arith.select %eq3A_217, %broadcast_in_dim3A_222, %select_n3A : vector<16xi1>, vector<16xf32>
      %mul3A_224 = arith.constant 16 : i32
      %mul3A_225 = arith.muli %scan3A_170, %mul3A_224 : i32
      %add3A_226 = arith.constant 2 : i32
      %add3A_227 = arith.addi %mul3A_225, %add3A_226 : i32
      %get3A_228 = arith.index_cast %add3A_227 : i32 to index
      %get3A_229 = arith.constant 0 : index
      %get3A_230 = tpu.vector_load %arg9[%get3A_228, %get3A_229] {strides = array<i32>} : memref<512x32xf32, #tpu.memory_space<vmem>>, vector<16xf32>,
      %get3A_231 = arith.index_cast %add3A_227 : i32 to index
      %get3A_232 = arith.constant 16 : index
      %get3A_233 = tpu.vector_load %arg9[%get3A_231, %get3A_232] {strides = array<i32>} : memref<512x32xf32, #tpu.memory_space<vmem>>, vector<16xf32>,
      %get3A_234 = arith.index_cast %add3A_227 : i32 to index
      %get3A_235 = arith.constant 0 : index
      %get3A_236 = tpu.vector_load %arg10[%get3A_234, %get3A_235] {strides = array<i32>} : memref<512x32xf32, #tpu.memory_space<vmem>>, vector<16xf32>,
      %get3A_237 = arith.index_cast %add3A_227 : i32 to index
      %get3A_238 = arith.constant 16 : index
      %get3A_239 = tpu.vector_load %arg10[%get3A_237, %get3A_238] {strides = array<i32>} : memref<512x32xf32, #tpu.memory_space<vmem>>, vector<16xf32>,
      %mul3A_240 = arith.mulf %get3A_230, %get3A_236 : vector<16xf32>
      %mul3A_241 = arith.mulf %get3A_233, %get3A_239 : vector<16xf32>
      %add3A_242 = arith.addf %mul3A_240, %mul3A_241 : vector<16xf32>
      %eq3A_243 = arith.constant 2 : i32
      %eq3A_244 = vector.broadcast %eq3A_243 : i32 to vector<16xi32>
      %eq3A_245 = arith.cmpi eq, %iota3A, %eq3A_244 : vector<16xi32>
      %reduce_sum3A_246 = arith.constant true
      %reduce_sum3A_247 = vector.broadcast %reduce_sum3A_246 : i1 to vector<16xi1>
      %reduce_sum3A_248 = tpu.scan <sum>, %add3A_242 masked %reduce_sum3A_247 : vector<16xf32>, vector<16xi1> -> vector<16xf32>
      %reduce_sum3A_249 = vector.extract %reduce_sum3A_248[15] : f32 from vector<16xf32>
      %broadcast_in_dim3A_250 = vector.broadcast %reduce_sum3A_249 : f32 to vector<16xf32>
      %select_n3A_251 = arith.select %eq3A_245, %broadcast_in_dim3A_250, %select_n3A_223 : vector<16xi1>, vector<16xf32>
      %mul3A_252 = arith.constant 16 : i32
      %mul3A_253 = arith.muli %scan3A_170, %mul3A_252 : i32
      %add3A_254 = arith.constant 3 : i32
      %add3A_255 = arith.addi %mul3A_253, %add3A_254 : i32
      %get3A_256 = arith.index_cast %add3A_255 : i32 to index
      %get3A_257 = arith.constant 0 : index
      %get3A_258 = tpu.vector_load %arg9[%get3A_256, %get3A_257] {strides = array<i32>} : memref<512x32xf32, #tpu.memory_space<vmem>>, vector<16xf32>,
      %get3A_259 = arith.index_cast %add3A_255 : i32 to index
      %get3A_260 = arith.constant 16 : index
      %get3A_261 = tpu.vector_load %arg9[%get3A_259, %get3A_260] {strides = array<i32>} : memref<512x32xf32, #tpu.memory_space<vmem>>, vector<16xf32>,
      %get3A_262 = arith.index_cast %add3A_255 : i32 to index
      %get3A_263 = arith.constant 0 : index
      %get3A_264 = tpu.vector_load %arg10[%get3A_262, %get3A_263] {strides = array<i32>} : memref<512x32xf32, #tpu.memory_space<vmem>>, vector<16xf32>,
      %get3A_265 = arith.index_cast %add3A_255 : i32 to index
      %get3A_266 = arith.constant 16 : index
      %get3A_267 = tpu.vector_load %arg10[%get3A_265, %get3A_266] {strides = array<i32>} : memref<512x32xf32, #tpu.memory_space<vmem>>, vector<16xf32>,
      %mul3A_268 = arith.mulf %get3A_258, %get3A_264 : vector<16xf32>
      %mul3A_269 = arith.mulf %get3A_261, %get3A_267 : vector<16xf32>
      %add3A_270 = arith.addf %mul3A_268, %mul3A_269 : vector<16xf32>
      %eq3A_271 = arith.constant 3 : i32
      %eq3A_272 = vector.broadcast %eq3A_271 : i32 to vector<16xi32>
      %eq3A_273 = arith.cmpi eq, %iota3A, %eq3A_272 : vector<16xi32>
      %reduce_sum3A_274 = arith.constant true
      %reduce_sum3A_275 = vector.broadcast %reduce_sum3A_274 : i1 to vector<16xi1>
      %reduce_sum3A_276 = tpu.scan <sum>, %add3A_270 masked %reduce_sum3A_275 : vector<16xf32>, vector<16xi1> -> vector<16xf32>
      %reduce_sum3A_277 = vector.extract %reduce_sum3A_276[15] : f32 from vector<16xf32>
      %broadcast_in_dim3A_278 = vector.broadcast %reduce_sum3A_277 : f32 to vector<16xf32>
      %select_n3A_279 = arith.select %eq3A_273, %broadcast_in_dim3A_278, %select_n3A_251 : vector<16xi1>, vector<16xf32>
      %mul3A_280 = arith.constant 16 : i32
      %mul3A_281 = arith.muli %scan3A_170, %mul3A_280 : i32
      %add3A_282 = arith.constant 4 : i32
      %add3A_283 = arith.addi %mul3A_281, %add3A_282 : i32
      %get3A_284 = arith.index_cast %add3A_283 : i32 to index
      %get3A_285 = arith.constant 0 : index
      %get3A_286 = tpu.vector_load %arg9[%get3A_284, %get3A_285] {strides = array<i32>} : memref<512x32xf32, #tpu.memory_space<vmem>>, vector<16xf32>,
      %get3A_287 = arith.index_cast %add3A_283 : i32 to index
      %get3A_288 = arith.constant 16 : index
      %get3A_289 = tpu.vector_load %arg9[%get3A_287, %get3A_288] {strides = array<i32>} : memref<512x32xf32, #tpu.memory_space<vmem>>, vector<16xf32>,
      %get3A_290 = arith.index_cast %add3A_283 : i32 to index
      %get3A_291 = arith.constant 0 : index
      %get3A_292 = tpu.vector_load %arg10[%get3A_290, %get3A_291] {strides = array<i32>} : memref<512x32xf32, #tpu.memory_space<vmem>>, vector<16xf32>,
      %get3A_293 = arith.index_cast %add3A_283 : i32 to index
      %get3A_294 = arith.constant 16 : index
      %get3A_295 = tpu.vector_load %arg10[%get3A_293, %get3A_294] {strides = array<i32>} : memref<512x32xf32, #tpu.memory_space<vmem>>, vector<16xf32>,
      %mul3A_296 = arith.mulf %get3A_286, %get3A_292 : vector<16xf32>
      %mul3A_297 = arith.mulf %get3A_289, %get3A_295 : vector<16xf32>
      %add3A_298 = arith.addf %mul3A_296, %mul3A_297 : vector<16xf32>
      %eq3A_299 = arith.constant 4 : i32
      %eq3A_300 = vector.broadcast %eq3A_299 : i32 to vector<16xi32>
      %eq3A_301 = arith.cmpi eq, %iota3A, %eq3A_300 : vector<16xi32>
      %reduce_sum3A_302 = arith.constant true
      %reduce_sum3A_303 = vector.broadcast %reduce_sum3A_302 : i1 to vector<16xi1>
      %reduce_sum3A_304 = tpu.scan <sum>, %add3A_298 masked %reduce_sum3A_303 : vector<16xf32>, vector<16xi1> -> vector<16xf32>
      %reduce_sum3A_305 = vector.extract %reduce_sum3A_304[15] : f32 from vector<16xf32>
      %broadcast_in_dim3A_306 = vector.broadcast %reduce_sum3A_305 : f32 to vector<16xf32>
      %select_n3A_307 = arith.select %eq3A_301, %broadcast_in_dim3A_306, %select_n3A_279 : vector<16xi1>, vector<16xf32>
      %mul3A_308 = arith.constant 16 : i32
      %mul3A_309 = arith.muli %scan3A_170, %mul3A_308 : i32
      %add3A_310 = arith.constant 5 : i32
      %add3A_311 = arith.addi %mul3A_309, %add3A_310 : i32
      %get3A_312 = arith.index_cast %add3A_311 : i32 to index
      %get3A_313 = arith.constant 0 : index
      %get3A_314 = tpu.vector_load %arg9[%get3A_312, %get3A_313] {strides = array<i32>} : memref<512x32xf32, #tpu.memory_space<vmem>>, vector<16xf32>,
      %get3A_315 = arith.index_cast %add3A_311 : i32 to index
      %get3A_316 = arith.constant 16 : index
      %get3A_317 = tpu.vector_load %arg9[%get3A_315, %get3A_316] {strides = array<i32>} : memref<512x32xf32, #tpu.memory_space<vmem>>, vector<16xf32>,
      %get3A_318 = arith.index_cast %add3A_311 : i32 to index
      %get3A_319 = arith.constant 0 : index
      %get3A_320 = tpu.vector_load %arg10[%get3A_318, %get3A_319] {strides = array<i32>} : memref<512x32xf32, #tpu.memory_space<vmem>>, vector<16xf32>,
      %get3A_321 = arith.index_cast %add3A_311 : i32 to index
      %get3A_322 = arith.constant 16 : index
      %get3A_323 = tpu.vector_load %arg10[%get3A_321, %get3A_322] {strides = array<i32>} : memref<512x32xf32, #tpu.memory_space<vmem>>, vector<16xf32>,
      %mul3A_324 = arith.mulf %get3A_314, %get3A_320 : vector<16xf32>
      %mul3A_325 = arith.mulf %get3A_317, %get3A_323 : vector<16xf32>
      %add3A_326 = arith.addf %mul3A_324, %mul3A_325 : vector<16xf32>
      %eq3A_327 = arith.constant 5 : i32
      %eq3A_328 = vector.broadcast %eq3A_327 : i32 to vector<16xi32>
      %eq3A_329 = arith.cmpi eq, %iota3A, %eq3A_328 : vector<16xi32>
      %reduce_sum3A_330 = arith.constant true
      %reduce_sum3A_331 = vector.broadcast %reduce_sum3A_330 : i1 to vector<16xi1>
      %reduce_sum3A_332 = tpu.scan <sum>, %add3A_326 masked %reduce_sum3A_331 : vector<16xf32>, vector<16xi1> -> vector<16xf32>
      %reduce_sum3A_333 = vector.extract %reduce_sum3A_332[15] : f32 from vector<16xf32>
      %broadcast_in_dim3A_334 = vector.broadcast %reduce_sum3A_333 : f32 to vector<16xf32>
      %select_n3A_335 = arith.select %eq3A_329, %broadcast_in_dim3A_334, %select_n3A_307 : vector<16xi1>, vector<16xf32>
      %mul3A_336 = arith.constant 16 : i32
      %mul3A_337 = arith.muli %scan3A_170, %mul3A_336 : i32
      %add3A_338 = arith.constant 6 : i32
      %add3A_339 = arith.addi %mul3A_337, %add3A_338 : i32
      %get3A_340 = arith.index_cast %add3A_339 : i32 to index
      %get3A_341 = arith.constant 0 : index
      %get3A_342 = tpu.vector_load %arg9[%get3A_340, %get3A_341] {strides = array<i32>} : memref<512x32xf32, #tpu.memory_space<vmem>>, vector<16xf32>,
      %get3A_343 = arith.index_cast %add3A_339 : i32 to index
      %get3A_344 = arith.constant 16 : index
      %get3A_345 = tpu.vector_load %arg9[%get3A_343, %get3A_344] {strides = array<i32>} : memref<512x32xf32, #tpu.memory_space<vmem>>, vector<16xf32>,
      %get3A_346 = arith.index_cast %add3A_339 : i32 to index
      %get3A_347 = arith.constant 0 : index
      %get3A_348 = tpu.vector_load %arg10[%get3A_346, %get3A_347] {strides = array<i32>} : memref<512x32xf32, #tpu.memory_space<vmem>>, vector<16xf32>,
      %get3A_349 = arith.index_cast %add3A_339 : i32 to index
      %get3A_350 = arith.constant 16 : index
      %get3A_351 = tpu.vector_load %arg10[%get3A_349, %get3A_350] {strides = array<i32>} : memref<512x32xf32, #tpu.memory_space<vmem>>, vector<16xf32>,
      %mul3A_352 = arith.mulf %get3A_342, %get3A_348 : vector<16xf32>
      %mul3A_353 = arith.mulf %get3A_345, %get3A_351 : vector<16xf32>
      %add3A_354 = arith.addf %mul3A_352, %mul3A_353 : vector<16xf32>
      %eq3A_355 = arith.constant 6 : i32
      %eq3A_356 = vector.broadcast %eq3A_355 : i32 to vector<16xi32>
      %eq3A_357 = arith.cmpi eq, %iota3A, %eq3A_356 : vector<16xi32>
      %reduce_sum3A_358 = arith.constant true
      %reduce_sum3A_359 = vector.broadcast %reduce_sum3A_358 : i1 to vector<16xi1>
      %reduce_sum3A_360 = tpu.scan <sum>, %add3A_354 masked %reduce_sum3A_359 : vector<16xf32>, vector<16xi1> -> vector<16xf32>
      %reduce_sum3A_361 = vector.extract %reduce_sum3A_360[15] : f32 from vector<16xf32>
      %broadcast_in_dim3A_362 = vector.broadcast %reduce_sum3A_361 : f32 to vector<16xf32>
      %select_n3A_363 = arith.select %eq3A_357, %broadcast_in_dim3A_362, %select_n3A_335 : vector<16xi1>, vector<16xf32>
      %mul3A_364 = arith.constant 16 : i32
      %mul3A_365 = arith.muli %scan3A_170, %mul3A_364 : i32
      %add3A_366 = arith.constant 7 : i32
      %add3A_367 = arith.addi %mul3A_365, %add3A_366 : i32
      %get3A_368 = arith.index_cast %add3A_367 : i32 to index
      %get3A_369 = arith.constant 0 : index
      %get3A_370 = tpu.vector_load %arg9[%get3A_368, %get3A_369] {strides = array<i32>} : memref<512x32xf32, #tpu.memory_space<vmem>>, vector<16xf32>,
      %get3A_371 = arith.index_cast %add3A_367 : i32 to index
      %get3A_372 = arith.constant 16 : index
      %get3A_373 = tpu.vector_load %arg9[%get3A_371, %get3A_372] {strides = array<i32>} : memref<512x32xf32, #tpu.memory_space<vmem>>, vector<16xf32>,
      %get3A_374 = arith.index_cast %add3A_367 : i32 to index
      %get3A_375 = arith.constant 0 : index
      %get3A_376 = tpu.vector_load %arg10[%get3A_374, %get3A_375] {strides = array<i32>} : memref<512x32xf32, #tpu.memory_space<vmem>>, vector<16xf32>,
      %get3A_377 = arith.index_cast %add3A_367 : i32 to index
      %get3A_378 = arith.constant 16 : index
      %get3A_379 = tpu.vector_load %arg10[%get3A_377, %get3A_378] {strides = array<i32>} : memref<512x32xf32, #tpu.memory_space<vmem>>, vector<16xf32>,
      %mul3A_380 = arith.mulf %get3A_370, %get3A_376 : vector<16xf32>
      %mul3A_381 = arith.mulf %get3A_373, %get3A_379 : vector<16xf32>
      %add3A_382 = arith.addf %mul3A_380, %mul3A_381 : vector<16xf32>
      %eq3A_383 = arith.constant 7 : i32
      %eq3A_384 = vector.broadcast %eq3A_383 : i32 to vector<16xi32>
      %eq3A_385 = arith.cmpi eq, %iota3A, %eq3A_384 : vector<16xi32>
      %reduce_sum3A_386 = arith.constant true
      %reduce_sum3A_387 = vector.broadcast %reduce_sum3A_386 : i1 to vector<16xi1>
      %reduce_sum3A_388 = tpu.scan <sum>, %add3A_382 masked %reduce_sum3A_387 : vector<16xf32>, vector<16xi1> -> vector<16xf32>
      %reduce_sum3A_389 = vector.extract %reduce_sum3A_388[15] : f32 from vector<16xf32>
      %broadcast_in_dim3A_390 = vector.broadcast %reduce_sum3A_389 : f32 to vector<16xf32>
      %select_n3A_391 = arith.select %eq3A_385, %broadcast_in_dim3A_390, %select_n3A_363 : vector<16xi1>, vector<16xf32>
      %mul3A_392 = arith.constant 16 : i32
      %mul3A_393 = arith.muli %scan3A_170, %mul3A_392 : i32
      %add3A_394 = arith.constant 8 : i32
      %add3A_395 = arith.addi %mul3A_393, %add3A_394 : i32
      %get3A_396 = arith.index_cast %add3A_395 : i32 to index
      %get3A_397 = arith.constant 0 : index
      %get3A_398 = tpu.vector_load %arg9[%get3A_396, %get3A_397] {strides = array<i32>} : memref<512x32xf32, #tpu.memory_space<vmem>>, vector<16xf32>,
      %get3A_399 = arith.index_cast %add3A_395 : i32 to index
      %get3A_400 = arith.constant 16 : index
      %get3A_401 = tpu.vector_load %arg9[%get3A_399, %get3A_400] {strides = array<i32>} : memref<512x32xf32, #tpu.memory_space<vmem>>, vector<16xf32>,
      %get3A_402 = arith.index_cast %add3A_395 : i32 to index
      %get3A_403 = arith.constant 0 : index
      %get3A_404 = tpu.vector_load %arg10[%get3A_402, %get3A_403] {strides = array<i32>} : memref<512x32xf32, #tpu.memory_space<vmem>>, vector<16xf32>,
      %get3A_405 = arith.index_cast %add3A_395 : i32 to index
      %get3A_406 = arith.constant 16 : index
      %get3A_407 = tpu.vector_load %arg10[%get3A_405, %get3A_406] {strides = array<i32>} : memref<512x32xf32, #tpu.memory_space<vmem>>, vector<16xf32>,
      %mul3A_408 = arith.mulf %get3A_398, %get3A_404 : vector<16xf32>
      %mul3A_409 = arith.mulf %get3A_401, %get3A_407 : vector<16xf32>
      %add3A_410 = arith.addf %mul3A_408, %mul3A_409 : vector<16xf32>
      %eq3A_411 = arith.constant 8 : i32
      %eq3A_412 = vector.broadcast %eq3A_411 : i32 to vector<16xi32>
      %eq3A_413 = arith.cmpi eq, %iota3A, %eq3A_412 : vector<16xi32>
      %reduce_sum3A_414 = arith.constant true
      %reduce_sum3A_415 = vector.broadcast %reduce_sum3A_414 : i1 to vector<16xi1>
      %reduce_sum3A_416 = tpu.scan <sum>, %add3A_410 masked %reduce_sum3A_415 : vector<16xf32>, vector<16xi1> -> vector<16xf32>
      %reduce_sum3A_417 = vector.extract %reduce_sum3A_416[15] : f32 from vector<16xf32>
      %broadcast_in_dim3A_418 = vector.broadcast %reduce_sum3A_417 : f32 to vector<16xf32>
      %select_n3A_419 = arith.select %eq3A_413, %broadcast_in_dim3A_418, %select_n3A_391 : vector<16xi1>, vector<16xf32>
      %mul3A_420 = arith.constant 16 : i32
      %mul3A_421 = arith.muli %scan3A_170, %mul3A_420 : i32
      %add3A_422 = arith.constant 9 : i32
      %add3A_423 = arith.addi %mul3A_421, %add3A_422 : i32
      %get3A_424 = arith.index_cast %add3A_423 : i32 to index
      %get3A_425 = arith.constant 0 : index
      %get3A_426 = tpu.vector_load %arg9[%get3A_424, %get3A_425] {strides = array<i32>} : memref<512x32xf32, #tpu.memory_space<vmem>>, vector<16xf32>,
      %get3A_427 = arith.index_cast %add3A_423 : i32 to index
      %get3A_428 = arith.constant 16 : index
      %get3A_429 = tpu.vector_load %arg9[%get3A_427, %get3A_428] {strides = array<i32>} : memref<512x32xf32, #tpu.memory_space<vmem>>, vector<16xf32>,
      %get3A_430 = arith.index_cast %add3A_423 : i32 to index
      %get3A_431 = arith.constant 0 : index
      %get3A_432 = tpu.vector_load %arg10[%get3A_430, %get3A_431] {strides = array<i32>} : memref<512x32xf32, #tpu.memory_space<vmem>>, vector<16xf32>,
      %get3A_433 = arith.index_cast %add3A_423 : i32 to index
      %get3A_434 = arith.constant 16 : index
      %get3A_435 = tpu.vector_load %arg10[%get3A_433, %get3A_434] {strides = array<i32>} : memref<512x32xf32, #tpu.memory_space<vmem>>, vector<16xf32>,
      %mul3A_436 = arith.mulf %get3A_426, %get3A_432 : vector<16xf32>
      %mul3A_437 = arith.mulf %get3A_429, %get3A_435 : vector<16xf32>
      %add3A_438 = arith.addf %mul3A_436, %mul3A_437 : vector<16xf32>
      %eq3A_439 = arith.constant 9 : i32
      %eq3A_440 = vector.broadcast %eq3A_439 : i32 to vector<16xi32>
      %eq3A_441 = arith.cmpi eq, %iota3A, %eq3A_440 : vector<16xi32>
      %reduce_sum3A_442 = arith.constant true
      %reduce_sum3A_443 = vector.broadcast %reduce_sum3A_442 : i1 to vector<16xi1>
      %reduce_sum3A_444 = tpu.scan <sum>, %add3A_438 masked %reduce_sum3A_443 : vector<16xf32>, vector<16xi1> -> vector<16xf32>
      %reduce_sum3A_445 = vector.extract %reduce_sum3A_444[15] : f32 from vector<16xf32>
      %broadcast_in_dim3A_446 = vector.broadcast %reduce_sum3A_445 : f32 to vector<16xf32>
      %select_n3A_447 = arith.select %eq3A_441, %broadcast_in_dim3A_446, %select_n3A_419 : vector<16xi1>, vector<16xf32>
      %mul3A_448 = arith.constant 16 : i32
      %mul3A_449 = arith.muli %scan3A_170, %mul3A_448 : i32
      %add3A_450 = arith.constant 10 : i32
      %add3A_451 = arith.addi %mul3A_449, %add3A_450 : i32
      %get3A_452 = arith.index_cast %add3A_451 : i32 to index
      %get3A_453 = arith.constant 0 : index
      %get3A_454 = tpu.vector_load %arg9[%get3A_452, %get3A_453] {strides = array<i32>} : memref<512x32xf32, #tpu.memory_space<vmem>>, vector<16xf32>,
      %get3A_455 = arith.index_cast %add3A_451 : i32 to index
      %get3A_456 = arith.constant 16 : index
      %get3A_457 = tpu.vector_load %arg9[%get3A_455, %get3A_456] {strides = array<i32>} : memref<512x32xf32, #tpu.memory_space<vmem>>, vector<16xf32>,
      %get3A_458 = arith.index_cast %add3A_451 : i32 to index
      %get3A_459 = arith.constant 0 : index
      %get3A_460 = tpu.vector_load %arg10[%get3A_458, %get3A_459] {strides = array<i32>} : memref<512x32xf32, #tpu.memory_space<vmem>>, vector<16xf32>,
      %get3A_461 = arith.index_cast %add3A_451 : i32 to index
      %get3A_462 = arith.constant 16 : index
      %get3A_463 = tpu.vector_load %arg10[%get3A_461, %get3A_462] {strides = array<i32>} : memref<512x32xf32, #tpu.memory_space<vmem>>, vector<16xf32>,
      %mul3A_464 = arith.mulf %get3A_454, %get3A_460 : vector<16xf32>
      %mul3A_465 = arith.mulf %get3A_457, %get3A_463 : vector<16xf32>
      %add3A_466 = arith.addf %mul3A_464, %mul3A_465 : vector<16xf32>
      %eq3A_467 = arith.constant 10 : i32
      %eq3A_468 = vector.broadcast %eq3A_467 : i32 to vector<16xi32>
      %eq3A_469 = arith.cmpi eq, %iota3A, %eq3A_468 : vector<16xi32>
      %reduce_sum3A_470 = arith.constant true
      %reduce_sum3A_471 = vector.broadcast %reduce_sum3A_470 : i1 to vector<16xi1>
      %reduce_sum3A_472 = tpu.scan <sum>, %add3A_466 masked %reduce_sum3A_471 : vector<16xf32>, vector<16xi1> -> vector<16xf32>
      %reduce_sum3A_473 = vector.extract %reduce_sum3A_472[15] : f32 from vector<16xf32>
      %broadcast_in_dim3A_474 = vector.broadcast %reduce_sum3A_473 : f32 to vector<16xf32>
      %select_n3A_475 = arith.select %eq3A_469, %broadcast_in_dim3A_474, %select_n3A_447 : vector<16xi1>, vector<16xf32>
      %mul3A_476 = arith.constant 16 : i32
      %mul3A_477 = arith.muli %scan3A_170, %mul3A_476 : i32
      %add3A_478 = arith.constant 11 : i32
      %add3A_479 = arith.addi %mul3A_477, %add3A_478 : i32
      %get3A_480 = arith.index_cast %add3A_479 : i32 to index
      %get3A_481 = arith.constant 0 : index
      %get3A_482 = tpu.vector_load %arg9[%get3A_480, %get3A_481] {strides = array<i32>} : memref<512x32xf32, #tpu.memory_space<vmem>>, vector<16xf32>,
      %get3A_483 = arith.index_cast %add3A_479 : i32 to index
      %get3A_484 = arith.constant 16 : index
      %get3A_485 = tpu.vector_load %arg9[%get3A_483, %get3A_484] {strides = array<i32>} : memref<512x32xf32, #tpu.memory_space<vmem>>, vector<16xf32>,
      %get3A_486 = arith.index_cast %add3A_479 : i32 to index
      %get3A_487 = arith.constant 0 : index
      %get3A_488 = tpu.vector_load %arg10[%get3A_486, %get3A_487] {strides = array<i32>} : memref<512x32xf32, #tpu.memory_space<vmem>>, vector<16xf32>,
      %get3A_489 = arith.index_cast %add3A_479 : i32 to index
      %get3A_490 = arith.constant 16 : index
      %get3A_491 = tpu.vector_load %arg10[%get3A_489, %get3A_490] {strides = array<i32>} : memref<512x32xf32, #tpu.memory_space<vmem>>, vector<16xf32>,
      %mul3A_492 = arith.mulf %get3A_482, %get3A_488 : vector<16xf32>
      %mul3A_493 = arith.mulf %get3A_485, %get3A_491 : vector<16xf32>
      %add3A_494 = arith.addf %mul3A_492, %mul3A_493 : vector<16xf32>
      %eq3A_495 = arith.constant 11 : i32
      %eq3A_496 = vector.broadcast %eq3A_495 : i32 to vector<16xi32>
      %eq3A_497 = arith.cmpi eq, %iota3A, %eq3A_496 : vector<16xi32>
      %reduce_sum3A_498 = arith.constant true
      %reduce_sum3A_499 = vector.broadcast %reduce_sum3A_498 : i1 to vector<16xi1>
      %reduce_sum3A_500 = tpu.scan <sum>, %add3A_494 masked %reduce_sum3A_499 : vector<16xf32>, vector<16xi1> -> vector<16xf32>
      %reduce_sum3A_501 = vector.extract %reduce_sum3A_500[15] : f32 from vector<16xf32>
      %broadcast_in_dim3A_502 = vector.broadcast %reduce_sum3A_501 : f32 to vector<16xf32>
      %select_n3A_503 = arith.select %eq3A_497, %broadcast_in_dim3A_502, %select_n3A_475 : vector<16xi1>, vector<16xf32>
      %mul3A_504 = arith.constant 16 : i32
      %mul3A_505 = arith.muli %scan3A_170, %mul3A_504 : i32
      %add3A_506 = arith.constant 12 : i32
      %add3A_507 = arith.addi %mul3A_505, %add3A_506 : i32
      %get3A_508 = arith.index_cast %add3A_507 : i32 to index
      %get3A_509 = arith.constant 0 : index
      %get3A_510 = tpu.vector_load %arg9[%get3A_508, %get3A_509] {strides = array<i32>} : memref<512x32xf32, #tpu.memory_space<vmem>>, vector<16xf32>,
      %get3A_511 = arith.index_cast %add3A_507 : i32 to index
      %get3A_512 = arith.constant 16 : index
      %get3A_513 = tpu.vector_load %arg9[%get3A_511, %get3A_512] {strides = array<i32>} : memref<512x32xf32, #tpu.memory_space<vmem>>, vector<16xf32>,
      %get3A_514 = arith.index_cast %add3A_507 : i32 to index
      %get3A_515 = arith.constant 0 : index
      %get3A_516 = tpu.vector_load %arg10[%get3A_514, %get3A_515] {strides = array<i32>} : memref<512x32xf32, #tpu.memory_space<vmem>>, vector<16xf32>,
      %get3A_517 = arith.index_cast %add3A_507 : i32 to index
      %get3A_518 = arith.constant 16 : index
      %get3A_519 = tpu.vector_load %arg10[%get3A_517, %get3A_518] {strides = array<i32>} : memref<512x32xf32, #tpu.memory_space<vmem>>, vector<16xf32>,
      %mul3A_520 = arith.mulf %get3A_510, %get3A_516 : vector<16xf32>
      %mul3A_521 = arith.mulf %get3A_513, %get3A_519 : vector<16xf32>
      %add3A_522 = arith.addf %mul3A_520, %mul3A_521 : vector<16xf32>
      %eq3A_523 = arith.constant 12 : i32
      %eq3A_524 = vector.broadcast %eq3A_523 : i32 to vector<16xi32>
      %eq3A_525 = arith.cmpi eq, %iota3A, %eq3A_524 : vector<16xi32>
      %reduce_sum3A_526 = arith.constant true
      %reduce_sum3A_527 = vector.broadcast %reduce_sum3A_526 : i1 to vector<16xi1>
      %reduce_sum3A_528 = tpu.scan <sum>, %add3A_522 masked %reduce_sum3A_527 : vector<16xf32>, vector<16xi1> -> vector<16xf32>
      %reduce_sum3A_529 = vector.extract %reduce_sum3A_528[15] : f32 from vector<16xf32>
      %broadcast_in_dim3A_530 = vector.broadcast %reduce_sum3A_529 : f32 to vector<16xf32>
      %select_n3A_531 = arith.select %eq3A_525, %broadcast_in_dim3A_530, %select_n3A_503 : vector<16xi1>, vector<16xf32>
      %mul3A_532 = arith.constant 16 : i32
      %mul3A_533 = arith.muli %scan3A_170, %mul3A_532 : i32
      %add3A_534 = arith.constant 13 : i32
      %add3A_535 = arith.addi %mul3A_533, %add3A_534 : i32
      %get3A_536 = arith.index_cast %add3A_535 : i32 to index
      %get3A_537 = arith.constant 0 : index
      %get3A_538 = tpu.vector_load %arg9[%get3A_536, %get3A_537] {strides = array<i32>} : memref<512x32xf32, #tpu.memory_space<vmem>>, vector<16xf32>,
      %get3A_539 = arith.index_cast %add3A_535 : i32 to index
      %get3A_540 = arith.constant 16 : index
      %get3A_541 = tpu.vector_load %arg9[%get3A_539, %get3A_540] {strides = array<i32>} : memref<512x32xf32, #tpu.memory_space<vmem>>, vector<16xf32>,
      %get3A_542 = arith.index_cast %add3A_535 : i32 to index
      %get3A_543 = arith.constant 0 : index
      %get3A_544 = tpu.vector_load %arg10[%get3A_542, %get3A_543] {strides = array<i32>} : memref<512x32xf32, #tpu.memory_space<vmem>>, vector<16xf32>,
      %get3A_545 = arith.index_cast %add3A_535 : i32 to index
      %get3A_546 = arith.constant 16 : index
      %get3A_547 = tpu.vector_load %arg10[%get3A_545, %get3A_546] {strides = array<i32>} : memref<512x32xf32, #tpu.memory_space<vmem>>, vector<16xf32>,
      %mul3A_548 = arith.mulf %get3A_538, %get3A_544 : vector<16xf32>
      %mul3A_549 = arith.mulf %get3A_541, %get3A_547 : vector<16xf32>
      %add3A_550 = arith.addf %mul3A_548, %mul3A_549 : vector<16xf32>
      %eq3A_551 = arith.constant 13 : i32
      %eq3A_552 = vector.broadcast %eq3A_551 : i32 to vector<16xi32>
      %eq3A_553 = arith.cmpi eq, %iota3A, %eq3A_552 : vector<16xi32>
      %reduce_sum3A_554 = arith.constant true
      %reduce_sum3A_555 = vector.broadcast %reduce_sum3A_554 : i1 to vector<16xi1>
      %reduce_sum3A_556 = tpu.scan <sum>, %add3A_550 masked %reduce_sum3A_555 : vector<16xf32>, vector<16xi1> -> vector<16xf32>
      %reduce_sum3A_557 = vector.extract %reduce_sum3A_556[15] : f32 from vector<16xf32>
      %broadcast_in_dim3A_558 = vector.broadcast %reduce_sum3A_557 : f32 to vector<16xf32>
      %select_n3A_559 = arith.select %eq3A_553, %broadcast_in_dim3A_558, %select_n3A_531 : vector<16xi1>, vector<16xf32>
      %mul3A_560 = arith.constant 16 : i32
      %mul3A_561 = arith.muli %scan3A_170, %mul3A_560 : i32
      %add3A_562 = arith.constant 14 : i32
      %add3A_563 = arith.addi %mul3A_561, %add3A_562 : i32
      %get3A_564 = arith.index_cast %add3A_563 : i32 to index
      %get3A_565 = arith.constant 0 : index
      %get3A_566 = tpu.vector_load %arg9[%get3A_564, %get3A_565] {strides = array<i32>} : memref<512x32xf32, #tpu.memory_space<vmem>>, vector<16xf32>,
      %get3A_567 = arith.index_cast %add3A_563 : i32 to index
      %get3A_568 = arith.constant 16 : index
      %get3A_569 = tpu.vector_load %arg9[%get3A_567, %get3A_568] {strides = array<i32>} : memref<512x32xf32, #tpu.memory_space<vmem>>, vector<16xf32>,
      %get3A_570 = arith.index_cast %add3A_563 : i32 to index
      %get3A_571 = arith.constant 0 : index
      %get3A_572 = tpu.vector_load %arg10[%get3A_570, %get3A_571] {strides = array<i32>} : memref<512x32xf32, #tpu.memory_space<vmem>>, vector<16xf32>,
      %get3A_573 = arith.index_cast %add3A_563 : i32 to index
      %get3A_574 = arith.constant 16 : index
      %get3A_575 = tpu.vector_load %arg10[%get3A_573, %get3A_574] {strides = array<i32>} : memref<512x32xf32, #tpu.memory_space<vmem>>, vector<16xf32>,
      %mul3A_576 = arith.mulf %get3A_566, %get3A_572 : vector<16xf32>
      %mul3A_577 = arith.mulf %get3A_569, %get3A_575 : vector<16xf32>
      %add3A_578 = arith.addf %mul3A_576, %mul3A_577 : vector<16xf32>
      %eq3A_579 = arith.constant 14 : i32
      %eq3A_580 = vector.broadcast %eq3A_579 : i32 to vector<16xi32>
      %eq3A_581 = arith.cmpi eq, %iota3A, %eq3A_580 : vector<16xi32>
      %reduce_sum3A_582 = arith.constant true
      %reduce_sum3A_583 = vector.broadcast %reduce_sum3A_582 : i1 to vector<16xi1>
      %reduce_sum3A_584 = tpu.scan <sum>, %add3A_578 masked %reduce_sum3A_583 : vector<16xf32>, vector<16xi1> -> vector<16xf32>
      %reduce_sum3A_585 = vector.extract %reduce_sum3A_584[15] : f32 from vector<16xf32>
      %broadcast_in_dim3A_586 = vector.broadcast %reduce_sum3A_585 : f32 to vector<16xf32>
      %select_n3A_587 = arith.select %eq3A_581, %broadcast_in_dim3A_586, %select_n3A_559 : vector<16xi1>, vector<16xf32>
      %mul3A_588 = arith.constant 16 : i32
      %mul3A_589 = arith.muli %scan3A_170, %mul3A_588 : i32
      %add3A_590 = arith.constant 15 : i32
      %add3A_591 = arith.addi %mul3A_589, %add3A_590 : i32
      %get3A_592 = arith.index_cast %add3A_591 : i32 to index
      %get3A_593 = arith.constant 0 : index
      %get3A_594 = tpu.vector_load %arg9[%get3A_592, %get3A_593] {strides = array<i32>} : memref<512x32xf32, #tpu.memory_space<vmem>>, vector<16xf32>,
      %get3A_595 = arith.index_cast %add3A_591 : i32 to index
      %get3A_596 = arith.constant 16 : index
      %get3A_597 = tpu.vector_load %arg9[%get3A_595, %get3A_596] {strides = array<i32>} : memref<512x32xf32, #tpu.memory_space<vmem>>, vector<16xf32>,
      %get3A_598 = arith.index_cast %add3A_591 : i32 to index
      %get3A_599 = arith.constant 0 : index
      %get3A_600 = tpu.vector_load %arg10[%get3A_598, %get3A_599] {strides = array<i32>} : memref<512x32xf32, #tpu.memory_space<vmem>>, vector<16xf32>,
      %get3A_601 = arith.index_cast %add3A_591 : i32 to index
      %get3A_602 = arith.constant 16 : index
      %get3A_603 = tpu.vector_load %arg10[%get3A_601, %get3A_602] {strides = array<i32>} : memref<512x32xf32, #tpu.memory_space<vmem>>, vector<16xf32>,
      %mul3A_604 = arith.mulf %get3A_594, %get3A_600 : vector<16xf32>
      %mul3A_605 = arith.mulf %get3A_597, %get3A_603 : vector<16xf32>
      %add3A_606 = arith.addf %mul3A_604, %mul3A_605 : vector<16xf32>
      %eq3A_607 = arith.constant 15 : i32
      %eq3A_608 = vector.broadcast %eq3A_607 : i32 to vector<16xi32>
      %eq3A_609 = arith.cmpi eq, %iota3A, %eq3A_608 : vector<16xi32>
      %reduce_sum3A_610 = arith.constant true
      %reduce_sum3A_611 = vector.broadcast %reduce_sum3A_610 : i1 to vector<16xi1>
      %reduce_sum3A_612 = tpu.scan <sum>, %add3A_606 masked %reduce_sum3A_611 : vector<16xf32>, vector<16xi1> -> vector<16xf32>
      %reduce_sum3A_613 = vector.extract %reduce_sum3A_612[15] : f32 from vector<16xf32>
      %broadcast_in_dim3A_614 = vector.broadcast %reduce_sum3A_613 : f32 to vector<16xf32>
      %select_n3A_615 = arith.select %eq3A_609, %broadcast_in_dim3A_614, %select_n3A_587 : vector<16xi1>, vector<16xf32>
      %mul3A_616 = arith.constant 16 : i32
      %mul3A_617 = arith.muli %scan3A_170, %mul3A_616 : i32
      %swap3A = arith.index_cast %mul3A_617 : i32 to index
      %swap3A_618 = tpu.vector_load %arg11[%swap3A] {strides = array<i32>} : memref<512xf32, #tpu.memory_space<vmem>>, vector<16xf32>,
      tpu.vector_store %arg11[%swap3A], %select_n3A_615 {strides = array<i32>} : memref<512xf32, #tpu.memory_space<vmem>>, vector<16xf32>,
    }
    %scan3A_169 = arith.constant 32 : i32
    "tpu.region"() ({
      %run_scoped3A = tpu.sem_alloc : memref<!tpu.dma_semaphore, #tpu.memory_space<semaphore_mem>>
      %dma_start3A_170 = tpu.memref_slice %arg6[%mul3A_2] : memref<16384xf32, #tpu.memory_space<hbm>> -> memref<512xf32, #tpu.memory_space<hbm>>
      %dma_start3A_171 = tpu.memref_slice %arg6[%mul3A_2] : memref<16384xf32, #tpu.memory_space<hbm>> -> memref<512xf32, #tpu.memory_space<hbm>>
      tpu.enqueue_dma source(%arg11 : memref<512xf32, #tpu.memory_space<vmem>>) target(%dma_start3A_171 : memref<512xf32, #tpu.memory_space<hbm>>) target_semaphore(%run_scoped3A : memref<!tpu.dma_semaphore, #tpu.memory_space<semaphore_mem>>)
      %dma_wait3A_172 = tpu.memref_slice %arg6[%mul3A_2] : memref<16384xf32, #tpu.memory_space<hbm>> -> memref<512xf32, #tpu.memory_space<hbm>>
      %dma_wait3A_173 = tpu.memref_slice %arg6[%mul3A_2] : memref<16384xf32, #tpu.memory_space<hbm>> -> memref<512xf32, #tpu.memory_space<hbm>>
      tpu.wait_dma2 semaphore(%run_scoped3A : memref<!tpu.dma_semaphore, #tpu.memory_space<semaphore_mem>>) src(%arg11 : memref<512xf32, #tpu.memory_space<vmem>>) dst(%dma_wait3A_173 : memref<512xf32, #tpu.memory_space<hbm>>)
      tpu.yield
    }) : () -> ()
    return
  }
}

</mosaic_0001>

<sc_bundles>
// kernel: _mf_dot.3.cloned.1.call-start
scs
__scs_entry_jumppad:
0x0: {  	(pc) =	sbr.rel $0x88, $3  }
0x1: {  	(tag) =	ssettag $0x0;
	lr =	simm.s32 $0x1  }
0x2: {  	[smem:$0x3F9D] =	sst lr;
	_ =	strace $0xD0000000  }
0x3: {  	_ = 	snop  }
0x4: {  	_ = 	snop  }
0x5: {  	_ = 	snop  }
0x6: {  	_ = 	snop  }
0x7: {  	_ = 	snop  }
__scs_overlays_trampoline_lowered:
0x8: {  	[smem:$0x3FAC] =	sst s0  }
0x9: {  	[smem:$0x3FAD] =	sst s1  }
0xa: {  	[smem:$0x3FAE] =	sst s2  }
0xb: {  	[smem:$0x3FAF] =	sst s3  }
0xc: {  	[smem:$0x3FB0] =	sst s4  }
0xd: {  	[smem:$0x3FB1] =	sst s5  }
0xe: {  	[smem:$0x3FB2] =	sst s6  }
0xf: {  	[smem:$0x3FB3] =	sst s7  }
0x10: {  	[smem:$0x3FB4] =	sst s8  }
0x11: {  	[smem:$0x3FB5] =	sst s9;
	s0 =	simm.s32 @!p0 $0x0  }
0x12: {  	s1 =	sld [smem:$0x3F9B];
	s0 =	simm.s32 @p0 $0x1  }
0x13: {  	[smem:$0x3FB6] =	sst s0;
	s0 =	simm.s32 @!p1 $0x0  }
0x14: {  	s2 =	sld [smem:$0x3F9A];
	s0 =	simm.s32 @p1 $0x1  }
0x15: {  	[smem:$0x3FB7] =	sst s0;
	s0 =	simm.s32 @!p2 $0x0  }
0x16: {  	s3 =	sld [smem:$0x3FDB];
	s0 =	simm.s32 @p2 $0x1  }
0x17: {  	s4 =	simm.s32 $0x1BF5;
	[smem:$0x3FB9] =	sst s0  }
0x18: {  	s0 =	sld [smem:$0x3F9C];
	_ =	swait.ge [sflag:s4], $0x0  }
0x19: {  	s7 =	sld [smem:$0x3F9D]  }
0x1a: {  	s8 =	sadd.s32 $0xFFFFE003, lr  }
0x1b: {  	s9 =	sadd.s32 $0xFFFFFEF7, lr;
	s5 =	simm.s32 $0xFFFFFFFF;
	p2 =	slt.u32 s8, $0xFFFFF086  }
0x1c: {  	p1 =	slt.u32 s9, $0xF7A;
	s5 =	simm.s32 @!p2 $0x0  }
0x1d: {  	s5 =	simm.s32 @p1 $0x1;
	p0 =	seq.s32 s7, s2  }
0x1e: {  	s7 =	smul.u32 @!p0 $0xF7A, s2;
	p2 =	seq.s32 @!p0 s5, $0x0  }
0x1f: {  	s9 =	smul.u32 $0xF7A, s1;
	s8 =	simm.s32 @!p0 $0x1BF5;
	p2 =	por !p2, p0  }
0x20: {  	[sflag:s8] =	ssyncset.s32 @!p0 $0xFFFFF086;
	s6 =	sadd.s32 @!p0 s3, s7;
	s7 =	simm.s32 @!p0 $0x108  }
0x21: {  	s3 =	sadd.s32 s3, s9;
	s6 =	sadd.s32 @!p0 $0x88, s6;
	s7 =	simm.s32 @p2 $0x1082  }
0x22: {  	[simem:s7], [sflag:s8] =	dma.local @!p0 [hbm:s6], $0xF7A  }
0x23: {  	s9 =	sor.u32 $0xD0000000, s2;
	s6 =	simm.s32 $0x108;
	_ =	swait.ge @!p0 [sflag:s8], $0x0  }
0x24: {  	s3 =	sadd.s32 $0x88, s3;
	s6 =	simm.s32 @!p1 $0x1082;
	[sflag:s4] =	ssyncset.s32 $0xFFFFF086  }
0x25: {  	[simem:s6], [sflag:s4] =	dma.local [hbm:s3], $0xF7A  }
0x26: {  	[smem:$0x3F9D] =	sst s1;
	(tag) =	ssettag s2;
	_ =	strace s9  }
0x27: {  	s1 =	sld [smem:$0x3FAD]  }
0x28: {  	s2 =	sld [smem:$0x3FAE]  }
0x29: {  	s4 =	sld [smem:$0x3FB0]  }
0x2a: {  	p0 =	seq.s32 s5, $0x0;
	s5 =	sld [smem:$0x3FB1]  }
0x2b: {  	s6 =	sld [smem:$0x3FB2]  }
0x2c: {  	s7 =	sld [smem:$0x3FB3]  }
0x2d: {  	s3 =	simm.s32 $0x108;
	s8 =	sld [smem:$0x3FB4]  }
0x2e: {  	s3 =	simm.s32 @!p0 $0x1082;
	s9 =	sld [smem:$0x3FB5]  }
0x2f: {  	lr =	sadd.s32 s0, s3;
	s0 =	sld [smem:$0x3FAC]  }
0x30: {  	s3 =	sld [smem:$0x3FAF]  }
0x31: {  	[smem:$0x3FB8] =	sst s10  }
0x32: {  	s10 =	sld [smem:$0x3FB6];
	_ =	sdelay $0x3  }
0x33: {  	p0 =	seq.s32 s10, $0x1;
	s10 =	sld [smem:$0x3FB8];
	_ =	sdelay $0x3  }
0x34: {  	[smem:$0x3FB8] =	sst s10  }
0x35: {  	s10 =	sld [smem:$0x3FB7];
	_ =	sdelay $0x3  }
0x36: {  	p1 =	seq.s32 s10, $0x1;
	s10 =	sld [smem:$0x3FB8];
	_ =	sdelay $0x3  }
0x37: {  	[smem:$0x3FB8] =	sst s10  }
0x38: {  	s10 =	sld [smem:$0x3FB9]  }
0x39: {  	_ = 	snop;
	(pc) =	sbr.ind lr, $3  }
0x3a: {  	_ = 	snop  }
0x3b: {  	_ = 	snop  }
0x3c: {  	p2 =	seq.s32 s10, $0x1;
	s10 =	sld [smem:$0x3FB8]  }
0x3d: {  	_ =	shalt  }
0x3e: {  	_ =	shalt  }
0x3f: {  	_ =	shalt  }
0x40: {  	_ =	shalt  }
0x41: {  	_ =	shalt  }
0x42: {  	_ =	shalt  }
0x43: {  	_ =	shalt  }
0x44: {  	_ =	shalt  }
0x45: {  	_ =	shalt  }
0x46: {  	_ =	shalt  }
0x47: {  	_ =	shalt  }
0x48: {  	_ =	shalt  }
0x49: {  	_ =	shalt  }
0x4a: {  	_ =	shalt  }
0x4b: {  	_ =	shalt  }
0x4c: {  	_ =	shalt  }
0x4d: {  	_ =	shalt  }
0x4e: {  	_ =	shalt  }
0x4f: {  	_ =	shalt  }
0x50: {  	_ =	shalt  }
0x51: {  	_ =	shalt  }
0x52: {  	_ =	shalt  }
0x53: {  	_ =	shalt  }
0x54: {  	_ =	shalt  }
0x55: {  	_ =	shalt  }
0x56: {  	_ =	shalt  }
0x57: {  	_ =	shalt  }
0x58: {  	_ =	shalt  }
0x59: {  	_ =	shalt  }
0x5a: {  	_ =	shalt  }
0x5b: {  	_ =	shalt  }
0x5c: {  	_ =	shalt  }
0x5d: {  	_ =	shalt  }
0x5e: {  	_ =	shalt  }
0x5f: {  	_ =	shalt  }
0x60: {  	_ =	shalt  }
0x61: {  	_ =	shalt  }
0x62: {  	_ =	shalt  }
0x63: {  	_ =	shalt  }
0x64: {  	_ =	shalt  }
0x65: {  	_ =	shalt  }
0x66: {  	_ =	shalt  }
0x67: {  	_ =	shalt  }
0x68: {  	_ =	shalt  }
0x69: {  	_ =	shalt  }
0x6a: {  	_ =	shalt  }
0x6b: {  	_ =	shalt  }
0x6c: {  	_ =	shalt  }
0x6d: {  	_ =	shalt  }
0x6e: {  	_ =	shalt  }
0x6f: {  	_ =	shalt  }
0x70: {  	_ =	shalt  }
0x71: {  	_ =	shalt  }
0x72: {  	_ =	shalt  }
0x73: {  	_ =	shalt  }
0x74: {  	_ =	shalt  }
0x75: {  	_ =	shalt  }
0x76: {  	_ =	shalt  }
0x77: {  	_ =	shalt  }
0x78: {  	_ =	shalt  }
0x79: {  	_ =	shalt  }
0x7a: {  	_ =	shalt  }
0x7b: {  	_ =	shalt  }
0x7c: {  	_ =	shalt  }
0x7d: {  	_ =	shalt  }
0x7e: {  	_ =	shalt  }
0x7f: {  	_ =	shalt  }
0x80: {  	_ =	shalt  }
0x81: {  	_ =	shalt  }
0x82: {  	_ =	shalt  }
0x83: {  	_ =	shalt  }
0x84: {  	_ =	shalt  }
0x85: {  	_ =	shalt  }
0x86: {  	_ =	shalt  }
0x87: {  	_ =	shalt  }
.Lfunc_end0:
.L_simem_size_0:
called_computation_lowered:
.L_overlay_start_0:
0x88: {  	s2 =	sld [smem:$0x3FD9]  }
0x89: {  	s3 =	sld [smem:$0x3FFE];
	_ =	sdelay $0x1  }
0x8a: {  	s1 =	srdreg.scid  }
0x8b: {  	s0 =	sand.u32 $0x1, s1  }
0x8c: {  	s17 =	sshll.u32 s0, $0xA;
	s2 =	sadd.s32 s3, s2  }
0x8d: {  	s2 =	sadd.s32 s2, s17  }
0x8e: {  	[smem:$0x3FC4] =	sst s2  }
0x8f: {  	_ = 	snop  }
0x90: {  	s2 =	sld [smem:$0x3FC9]  }
0x91: {  	s18 =	sld [smem:$0x3FC8]  }
0x92: {  	s4 =	sld [smem:$0x3FD0];
	(tm) =	ssettm $0x1  }
0x93: {  	s5 =	sld [smem:$0x3FFB];
	_ =	sdelay $0x3  }
0x94: {  	_ =	strace s5  }
0x95: {  	s5 =	sld [smem:$0x3FFC];
	_ =	sdelay $0x3  }
0x96: {  	_ =	strace s5  }
0x97: {  	s5 =	sld [smem:$0x3FFD];
	_ =	sdelay $0x3  }
0x98: {  	_ =	strace s5  }
0x99: {  	_ =	strace $0x8FFFFFFF  }
0x9a: {  	s19 =	sld [smem:$0x3FDB];
	_ =	sdelay $0x1  }
0x9b: {  	s6 =	simm.s32 $_scs_section_size  }
0x9c: {  	s7 =	simm.s32 $_size__tile_overlayer_lowered;
	s8 =	simm.s32 $_tile_overlayer_lowered  }
0x9d: {  	s22 =	simm.s32 $0x1BFF;
	s21 =	sshll.u32 s8, $0x1;
	s5 =	sadd.s32 s6, s19  }
0x9e: {  	s9 =	simm.s32 $0x0;
	s20 =	sshll.u32 s7, $0x1;
	s7 =	sadd.s32 s21, s5  }
0x9f: {  	[timem:s9], [sflag:s22] =	dma.local [hbm:s7], s20  }
0xa0: {  	_ =	swait.ge [sflag:s22], s20  }
0xa1: {  	s6 =	ssub.s32 $0x0, s20;
	[sflag:s22] =	ssyncset.done $0x0  }
0xa2: {  	[sflag:s22] =	ssyncadd.s32 s6;
	_ =	sdelay $0x1  }
0xa3: {  	s23 =	simm.s32 $0x1B8B  }
0xa4: {  	_ =	swait.ge [sflag:s23], $0x1  }
0xa5: {  	[sflag:s23] =	ssyncset.done $0x0  }
0xa6: {  	s25 =	simm.s32 $0x1B8E;
	s24 =	sld [smem:$0x3FFE];
	[sflag:s23] =	ssyncadd.s32 $0xFFFFFFFF  }
0xa7: {  	s26 =	simm.s32 $execute0_lowered;
	[smem:$0x3FD2] =	sst s25  }
0xa8: {  	s7 =	sshll.u32 s26, $0x1;
	_ =	strace $0x80000046;
	[dreg:$0x1] =	wrdreg $0xFFFFFFFF  }
0xa9: {  	s28 =	simm.s32 $_size_execute0_lowered;
	s5 =	sadd.s32 s5, s7;
	[dreg:$0x0] =	wrdreg $0x0  }
0xaa: {  	s7 =	sshll.u32 s28, $0x1;
	[dreg:$0x2] =	wrdreg s5  }
0xab: {  	[dreg:$0x3] =	wrdreg s7  }
0xac: {  	[dreg:$0x4] =	wrdreg $0xC0  }
0xad: {  	_ =	task [dreg:s9], $0x5FFFF  }
0xae: {  	[dreg:$0x1] =	wrdreg $0xFFFFFFFF  }
0xaf: {  	[dreg:$0x0] =	wrdreg $0x60  }
0xb0: {  	[dreg:$0x2] =	wrdreg s2  }
0xb1: {  	[dreg:$0x3] =	wrdreg s18  }
0xb2: {  	[dreg:$0x4] =	wrdreg s24  }
0xb3: {  	[dreg:$0x5] =	wrdreg s4  }
0xb4: {  	[dreg:$0x6] =	wrdreg $0x9  }
0xb5: {  	_ =	task.clear_ibuf [dreg:s9], $0x7FFFF;
	_ =	strace $0x90000046  }
0xb6: {  	s29 =	simm.s32 $0x9;
	_ =	strace $0x80000048  }
0xb7: {  	_ =	swait.ge [sflag:s29], $0x1  }
0xb8: {  	[sflag:s29] =	ssyncadd.s32 $0xFFFFFFFF  }
0xb9: {  	_ =	strace $0x90000048  }
0xba: {  	_ =	sfence  }
0xbb: {  	s30 =	sld [smem:$0x0];
	_ =	sdelay $0x2  }
0xbc: {  	s31 =	sshll.u32 s1, $0xD;
	s1 =	sshrl.u32 s1, $0x2  }
0xbd: {  	s3 =	sand.u32 $0x4000, s31;
	s1 =	sadd.s32 s1, s30  }
0xbe: {  	s0 =	sor.u32 s3, s0;
	s1 =	sshll.u32 s1, $0x11  }
0xbf: {  	s0 =	sor.u32 s1, s0  }
0xc0: {  	s0 =	sadd.s32 $0x8F2B, s0  }
0xc1: {  	[sflag:s0] =	ssyncadd.remote.s32 $0x1  }
0xc2: {  	_ =	sfence.sel $0xFFFF  }
0xc3: {  	[dreg:$0x0] =	wrdreg $0xFFFFFFFF;
	(pc) =	sbr.abs _section_cstart, $3  }
0xc4: {  	[dreg:$0x1] =	wrdreg $0xFFFFFFFF  }
0xc5: {  	_ =	task.clear_ibuf [dreg:s9], $0x2FFFF;
	_ =	strace $0x9FFFFFFF  }
0xc6: {  	(tm) =	ssettm $0x7FFFFFFF  }
0xc7: {  	_ =	shalt  }
tec
execute0_lowered:
.L_overlay_start_1:
0x0: {  	(tag) =	ssettag $0x1  }
0x1: {  	s5 =	rddreg [dreg:$0x0]  }
0x2: {  	s6 =	rddreg [dreg:$0x1]  }
0x3: {  	s4 =	rddreg [dreg:$0x2]  }
0x4: {  	s7 =	rddreg [dreg:$0x3]  }
0x5: {  	s0 =	rddreg [dreg:$0x4];
	s1 =	simm.s32 $0x0  }
0x6: {  	s8 =	srdreg.scid;
	s2 =	stileid.u32;
	s12 =	simm.s32 $0x400  }
0x7: {  	s13 =	simm.s32 $0x4400;
	s14 =	simm.s32 $0x1400;
	s15 =	simm.s32 $0x280  }
0x8: {  	s16 =	simm.s32 $0x5400;
	s17 =	simm.s32 $0x100;
	s18 =	simm.s32 $0x2400  }
0x9: {  	s19 =	simm.s32 $0x300;
	s20 =	simm.s32 $0x6400;
	s21 =	simm.s32 $0x180  }
0xa: {  	s22 =	simm.s32 $0x3400;
	s23 =	simm.s32 $0x380;
	s24 =	simm.s32 $0x7400  }
0xb: {  	s25 =	simm.s32 $0x1;
	s26 =	simm.s32 $0x8400;
	s28 =	simm.s32 $0x0  }
0xc: {  	[smem:$0x7FF] =	sst s1;
	s3 =	sadd.s32 $0xF42800, s4;
	s8 =	sand.u32 $0x1, s8  }
0xd: {  	vm0 =	vmmov $0x1;
	vm1 =	vmmov $0x3;
	vm2 =	vmmov $0x7;
	s10 =	sshll.u32 s2, $0x7;
	s4 =	sadd.s32 $0x1313200, s4;
	s9 =	ssub.s32 $0x2, s8  }
0xe: {  	vm3 =	vmmov $0xf;
	vm4 =	vmmov $0x1f;
	vm5 =	vmmov $0x3f;
	_ =	strace $0x80000047;
	s8 =	sshll.u32 s8, $0x6;
	s11 =	sshrl.u32 s9, $0x1  }
0xf: {  	vm6 =	vmmov $0x7f;
	vm7 =	vmmov $0xff;
	vm8 =	vmmov $0x1ff;
	s8 =	sor.u32 s8, s10;
	s10 =	simm.s32 $0x200;
	s9 =	ssub.s32 s9, s11  }
0x10: {  	vm9 =	vmmov $0x3ff;
	vm10 =	vmmov $0x7ff;
	vm11 =	vmmov $0xfff;
	s5 =	sadd.s32 s5, s8;
	s6 =	sadd.s32 s6, s8;
	s7 =	sadd.s32 s7, s8  }
0x11: {  	vm12 =	vmmov $0x1fff;
	vm13 =	vmmov $0x3fff;
	vm14 =	vmmov $0x7fff;
	s11 =	simm.s32 $0x80;
	s8 =	smax.u32 s9, $0x1;
	s9 =	simm.s32 $0x2  }
.LBB2_1:
0x12: {  	[tilespmem:s1], [sflag:$0x2] =	stream.linear.gather [hbm4b:s5+s1], $0x200, $0x38;
	[tilespmem:$0x8600] =	vst v63  }
0x13: {  	_ =	swait.ge [sflag:s9], $0x200  }
0x14: {  	[sflag:s9] =	ssyncset.done $0x0  }
0x15: {  	[sflag:s9] =	ssyncadd.s32 $0xFFFFFE00  }
0x16: {  	[tilespmem:s10], [sflag:$0x2] =	stream.linear.gather [hbm4b:s6+s1], $0x200, $0x38;
	[tilespmem:$0x8600] =	vst v63  }
0x17: {  	_ =	swait.ge [sflag:s9], $0x200  }
0x18: {  	[sflag:s9] =	ssyncset.done $0x0  }
0x19: {  	[sflag:s9] =	ssyncadd.s32 $0xFFFFFE00  }
0x1a: {  	[tilespmem:s12], [sflag:$0x1] =	stream.indirect.gather [hbm4b:s3+s11], $0x20, s1, s11, $0xb8;
	[tilespmem:$0x8600] =	vst v63  }
0x1b: {  	_ = 	snop  }
0x1c: {  	[tilespmem:s13], [sflag:$0x1] =	stream.indirect.gather [hbm4b:s4+s11], $0x20, s10, s11, $0xb8;
	[tilespmem:$0x8600] =	vst v63  }
0x1d: {  	_ = 	snop  }
0x1e: {  	[tilespmem:s14], [sflag:$0x1] =	stream.indirect.gather [hbm4b:s3+s11], $0x20, s11, s11, $0xb8;
	[tilespmem:$0x8600] =	vst v63  }
0x1f: {  	_ = 	snop  }
0x20: {  	[tilespmem:s16], [sflag:$0x1] =	stream.indirect.gather [hbm4b:s4+s11], $0x20, s15, s11, $0xb8;
	[tilespmem:$0x8600] =	vst v63  }
0x21: {  	_ = 	snop  }
0x22: {  	[tilespmem:s18], [sflag:$0x1] =	stream.indirect.gather [hbm4b:s3+s11], $0x20, s17, s11, $0xb8;
	[tilespmem:$0x8600] =	vst v63  }
0x23: {  	_ = 	snop  }
0x24: {  	[tilespmem:s20], [sflag:$0x1] =	stream.indirect.gather [hbm4b:s4+s11], $0x20, s19, s11, $0xb8;
	[tilespmem:$0x8600] =	vst v63  }
0x25: {  	_ = 	snop  }
0x26: {  	[tilespmem:s22], [sflag:$0x1] =	stream.indirect.gather [hbm4b:s3+s11], $0x20, s21, s11, $0xb8;
	[tilespmem:$0x8600] =	vst v63  }
0x27: {  	_ = 	snop  }
0x28: {  	[tilespmem:s24], [sflag:$0x1] =	stream.indirect.gather [hbm4b:s4+s11], $0x20, s23, s11, $0xb8;
	[tilespmem:$0x8600] =	vst v63  }
0x29: {  	_ =	swait.ge [sflag:s25], $0x1000  }
0x2a: {  	[sflag:s25] =	ssyncset.done $0x0  }
0x2b: {  	[sflag:s25] =	ssyncadd.s32 $0xFFFFF000  }
0x2c: {  	_ =	swait.ge [sflag:s25], $0x1000  }
0x2d: {  	[sflag:s25] =	ssyncset.done $0x0  }
0x2e: {  	[sflag:s25] =	ssyncadd.s32 $0xFFFFF000  }
0x2f: {  	_ =	swait.ge [sflag:s25], $0x1000  }
0x30: {  	[sflag:s25] =	ssyncset.done $0x0  }
0x31: {  	[sflag:s25] =	ssyncadd.s32 $0xFFFFF000  }
0x32: {  	_ =	swait.ge [sflag:s25], $0x1000  }
0x33: {  	[sflag:s25] =	ssyncset.done $0x0  }
0x34: {  	[sflag:s25] =	ssyncadd.s32 $0xFFFFF000  }
0x35: {  	_ =	swait.ge [sflag:s25], $0x1000  }
0x36: {  	[sflag:s25] =	ssyncset.done $0x0  }
0x37: {  	[sflag:s25] =	ssyncadd.s32 $0xFFFFF000  }
0x38: {  	_ =	swait.ge [sflag:s25], $0x1000  }
0x39: {  	[sflag:s25] =	ssyncset.done $0x0  }
0x3a: {  	[sflag:s25] =	ssyncadd.s32 $0xFFFFF000  }
0x3b: {  	_ =	swait.ge [sflag:s25], $0x1000  }
0x3c: {  	[sflag:s25] =	ssyncset.done $0x0  }
0x3d: {  	[sflag:s25] =	ssyncadd.s32 $0xFFFFF000  }
0x3e: {  	_ =	swait.ge [sflag:s25], $0x1000  }
0x3f: {  	[sflag:s25] =	ssyncset.done $0x0  }
0x40: {  	s29 =	simm.s32 $0x0;
	[sflag:s25] =	ssyncadd.s32 $0xFFFFF000  }
0x41: {  	v0 =	vld [tilespmem:s29+$0x5C0]  }
0x42: {  	v1 =	vld [tilespmem:s29+$0x45C0]  }
0x43: {  	v2 =	vld [tilespmem:s29+$0x5D0]  }
0x44: {  	v3 =	vld [tilespmem:s29+$0x45D0]  }
0x45: {  	v4 =	vld [tilespmem:s29+$0x5A0]  }
0x46: {  	v5 =	vld [tilespmem:s29+$0x580]  }
0x47: {  	v6 =	vld [tilespmem:s29+$0x4580]  }
0x48: {  	v7 =	vld [tilespmem:s29+$0x590]  }
0x49: {  	v8 =	vld [tilespmem:s29+$0x4590]  }
0x4a: {  	v9 =	vld [tilespmem:s29+$0x560]  }
0x4b: {  	v10 =	vld [tilespmem:s29+$0x4560]  }
0x4c: {  	v11 =	vld [tilespmem:s29+$0x570]  }
0x4d: {  	v12 =	vld [tilespmem:s29+$0x4570]  }
0x4e: {  	v13 =	vld [tilespmem:s29+$0x540]  }
0x4f: {  	v14 =	vld [tilespmem:s29+$0x520]  }
0x50: {  	v15 =	vld [tilespmem:s29+$0x4520]  }
0x51: {  	v16 =	vld [tilespmem:s29+$0x530]  }
0x52: {  	v17 =	vld [tilespmem:s29+$0x4530]  }
0x53: {  	v18 =	vld [tilespmem:s29+$0x500]  }
0x54: {  	v19 =	vld [tilespmem:s29+$0x4500]  }
0x55: {  	v20 =	vld [tilespmem:s29+$0x510]  }
0x56: {  	v21 =	vld [tilespmem:s29+$0x4510]  }
0x57: {  	v22 =	vld [tilespmem:s29+$0x4E0]  }
0x58: {  	v23 =	vld [tilespmem:s29+$0x4C0]  }
0x59: {  	v24 =	vld [tilespmem:s29+$0x44C0]  }
0x5a: {  	v25 =	vld [tilespmem:s29+$0x4D0]  }
0x5b: {  	v26 =	vld [tilespmem:s29+$0x44D0]  }
0x5c: {  	v27 =	vld [tilespmem:s29+$0x4A0]  }
0x5d: {  	v28 =	vld [tilespmem:s29+$0x44A0]  }
0x5e: {  	v29 =	vld [tilespmem:s29+$0x4B0]  }
0x5f: {  	v30 =	vld [tilespmem:s29+$0x44B0]  }
0x60: {  	v31 =	vld [tilespmem:s29+$0x480]  }
0x61: {  	v32 =	vld [tilespmem:s29+$0x460]  }
0x62: {  	v33 =	vld [tilespmem:s29+$0x4460]  }
0x63: {  	v34 =	vld [tilespmem:s29+$0x470]  }
0x64: {  	v35 =	vld [tilespmem:s29+$0x4470]  }
0x65: {  	v36 =	vld [tilespmem:s29+$0x440]  }
0x66: {  	v37 =	vld [tilespmem:s29+$0x4440]  }
0x67: {  	v38 =	vld [tilespmem:s29+$0x450]  }
0x68: {  	v39 =	vld [tilespmem:s29+$0x4450]  }
0x69: {  	v40 =	vld [tilespmem:s29+$0x4400]  }
0x6a: {  	v41 =	vld [tilespmem:s29+$0x400]  }
0x6b: {  	v0 =	vmul.f32 v1, v0;
	v1 =	vmul.f32 v3, v2;
	v2 =	vld [tilespmem:s29+$0x410]  }
0x6c: {  	v3 =	vmul.f32 v6, v5;
	v5 =	vmul.f32 v8, v7;
	v6 =	vld [tilespmem:s29+$0x4410]  }
0x6d: {  	v7 =	vmul.f32 v12, v11;
	v8 =	vld [tilespmem:s29+$0x420];
	v0 =	vadd.f32 v1, v0;
	v1 =	vmul.f32 v10, v9  }
0x6e: {  	v11 =	vld [tilespmem:s29+$0x430];
	v3 =	vadd.f32 v5, v3;
	v5 =	vmul.f32 v15, v14;
	v9 =	vmul.f32 v17, v16  }
0x6f: {  	v12 =	vld [tilespmem:s29+$0x4430];
	(xrf2) =	vadd.scan.msk.f32 $0xffff, v0;
	v0 =	vadd.f32 v7, v1;
	v1 =	vmul.f32 v19, v18;
	v7 =	vmul.f32 v21, v20  }
0x70: {  	v10 =	vld [tilespmem:s29+$0x4420];
	(xrf2) =	vadd.scan.msk.f32 $0xffff, v3;
	v3 =	vadd.f32 v9, v5;
	v5 =	vmul.f32 v24, v23;
	v9 =	vmul.f32 v26, v25  }
0x71: {  	v14 =	vld [tilespmem:s29+$0x4480];
	(xrf2) =	vadd.scan.msk.f32 $0xffff, v0;
	v0 =	vadd.f32 v7, v1;
	v1 =	vmul.f32 v28, v27;
	v7 =	vmul.f32 v30, v29  }
0x72: {  	v15 =	vld [tilespmem:s29+$0x490];
	(xrf2) =	vadd.scan.msk.f32 $0xffff, v3;
	v3 =	vadd.f32 v9, v5;
	v5 =	vmul.f32 v33, v32;
	v9 =	vmul.f32 v35, v34  }
0x73: {  	v16 =	vld [tilespmem:s29+$0x4490];
	(xrf2) =	vadd.scan.msk.f32 $0xffff, v0;
	v0 =	vadd.f32 v7, v1;
	v1 =	vmul.f32 v37, v36;
	v7 =	vmul.f32 v39, v38  }
0x74: {  	v2 =	vmul.f32 v6, v2;
	v6 =	vld [tilespmem:s29+$0x44E0];
	(xrf2) =	vadd.scan.msk.f32 $0xffff, v3;
	v3 =	vadd.f32 v9, v5  }
0x75: {  	v5 =	vmul.f32 v40, v41;
	(xrf2) =	vadd.scan.msk.f32 $0xffff, v0;
	v0 =	vadd.f32 v7, v1;
	v1 =	vmul.f32 v10, v8;
	v8 =	vld [tilespmem:s29+$0x4F0]  }
0x76: {  	v7 =	vmul.f32 v12, v11;
	v10 =	vld [tilespmem:s29+$0x4550]  }
0x77: {  	(xrf2) =	vadd.scan.msk.f32 $0xffff, v3;
	v2 =	vadd.f32 v2, v5;
	v3 =	vld [tilespmem:s29+$0x44F0]  }
0x78: {  	(xrf2) =	vadd.scan.msk.f32 $0xffff, v0;
	v0 =	vadd.f32 v7, v1;
	v1 =	vld [tilespmem:s29+$0x4540]  }
0x79: {  	v5 =	vmul.f32 v16, v15;
	v7 =	vld [tilespmem:s29+$0x550];
	(xrf2) =	vadd.scan.msk.f32 $0xffff, v2;
	v2 =	vmul.f32 v14, v31  }
0x7a: {  	v14 =	vld [tilespmem:s29+$0x45B0]  }
0x7b: {  	v9, _, _ =	vpop (xrf2);
	(xrf2) =	vadd.scan.msk.f32 $0xffff, v0;
	v2 =	vadd.f32 v5, v2;
	v5 =	vld [tilespmem:s29+$0x45A0]  }
0x7c: {  	v6 =	vmul.f32 v6, v22;
	v0, _, _ =	vpop (xrf2);
	v3 =	vmul.f32 v3, v8;
	v8 =	vld [tilespmem:s29+$0x5B0]  }
0x7d: {  	v11, _, _ =	vpop (xrf2)  }
0x7e: {  	v12, _, _ =	vpop (xrf2);
	v3 =	vadd.f32 v3, v6  }
0x7f: {  	(xrf2) =	vadd.scan.msk.f32 $0xffff, v2;
	v2, _, _ =	vpop (xrf2)  }
0x80: {  	v1 =	vmul.f32 v1, v13;
	v7 =	vmul.f32 v10, v7;
	v15, _, _ =	vpop (xrf2)  }
0x81: {  	v4 =	vmul.f32 v5, v4;
	v13, _, _ =	vpop (xrf2);
	v5 =	vmul.f32 v14, v8  }
0x82: {  	v10 =	vld [tilespmem:s29+$0x45E0];
	(xrf2) =	vadd.scan.msk.f32 $0xffff, v3;
	v3, _, _ =	vpop (xrf2)  }
0x83: {  	v6 =	vld [tilespmem:s29+$0x5E0];
	v1 =	vadd.f32 v7, v1;
	v17, _, _ =	vpop (xrf2)  }
0x84: {  	v16 =	vld [tilespmem:s29+$0x5F0];
	v8, _, _ =	vpop (xrf2)  }
0x85: {  	v7 =	vld [tilespmem:s29+$0x45F0];
	(xrf2) =	vadd.scan.msk.f32 $0xffff, v1;
	v1 =	vadd.f32 v5, v4;
	v5, _, _ =	vpop (xrf2)  }
0x86: {  	v5 =	vbroadcast v5, $0xF;
	_ =	sdelay $0x1  }
0x87: {  	v4 =	vmul.f32 v10, v6;
	v6 =	vbroadcast v8, $0xF  }
0x88: {  	v8 =	vbroadcast v17, $0xF  }
0x89: {  	v3 =	vbroadcast v3, $0xF;
	v7 =	vmul.f32 v7, v16;
	(xrf2) =	vadd.scan.msk.f32 $0xffff, v1;
	v1 =	vsel vm0, v6, v5;
	v5, _, _ =	vpop (xrf2)  }
0x8a: {  	v1 =	vsel vm1, v1, v8;
	v5 =	vbroadcast v5, $0xF  }
0x8b: {  	v4 =	vadd.f32 v7, v4;
	v1 =	vsel vm2, v1, v3;
	v3 =	vbroadcast v13, $0xF  }
0x8c: {  	v6, _, _ =	vpop (xrf2);
	v1 =	vsel vm3, v1, v5;
	v5 =	vbroadcast v15, $0xF  }
0x8d: {  	v1 =	vsel vm4, v1, v3;
	v3 =	vbroadcast v6, $0xF  }
0x8e: {  	v2 =	vbroadcast v2, $0xF;
	(xrf2) =	vadd.scan.msk.f32 $0xffff, v4;
	v1 =	vsel vm5, v1, v5  }
0x8f: {  	v4, _, _ =	vpop (xrf2);
	v1 =	vsel vm6, v1, v3;
	v3 =	vbroadcast v12, $0xF  }
0x90: {  	v1 =	vsel vm7, v1, v2;
	v2 =	vbroadcast v4, $0xF  }
0x91: {  	v1 =	vsel vm8, v1, v3;
	v3 =	vbroadcast v11, $0xF  }
0x92: {  	v0 =	vbroadcast v0, $0xF;
	v1 =	vsel vm9, v1, v2  }
0x93: {  	v1 =	vsel vm10, v1, v3  }
0x94: {  	v2, _, _ =	vpop (xrf2);
	v0 =	vsel vm11, v1, v0;
	v1 =	vbroadcast v9, $0xF  }
0x95: {  	v2 =	vbroadcast v2, $0xF;
	_ =	sdelay $0x1  }
0x96: {  	v0 =	vsel vm12, v0, v2  }
0x97: {  	v0 =	vsel vm13, v0, v1;
	v1, _, _ =	vpop (xrf2)  }
0x98: {  	v0 =	vsel vm14, v0, v1  }
0x99: {  	s30 =	simm.s32 $0x200;
	[tilespmem:s26+$0x0] =	vst v0  }
0x9a: {  	v2 =	vld [tilespmem:s30+$0x5C0]  }
0x9b: {  	v3 =	vld [tilespmem:s30+$0x45C0]  }
0x9c: {  	v5 =	vld [tilespmem:s30+$0x5D0]  }
0x9d: {  	v6 =	vld [tilespmem:s30+$0x45D0]  }
0x9e: {  	v0 =	vld [tilespmem:s30+$0x5A0]  }
0x9f: {  	v7 =	vld [tilespmem:s30+$0x580]  }
0xa0: {  	v8 =	vld [tilespmem:s30+$0x4580]  }
0xa1: {  	v9 =	vld [tilespmem:s30+$0x590]  }
0xa2: {  	v10 =	vld [tilespmem:s30+$0x4590]  }
0xa3: {  	v11 =	vld [tilespmem:s30+$0x560]  }
0xa4: {  	v12 =	vld [tilespmem:s30+$0x4560]  }
0xa5: {  	v13 =	vld [tilespmem:s30+$0x570]  }
0xa6: {  	v14 =	vld [tilespmem:s30+$0x4570]  }
0xa7: {  	v1 =	vld [tilespmem:s30+$0x540]  }
0xa8: {  	v15 =	vld [tilespmem:s30+$0x520]  }
0xa9: {  	v16 =	vld [tilespmem:s30+$0x4520]  }
0xaa: {  	v17 =	vld [tilespmem:s30+$0x530]  }
0xab: {  	v18 =	vld [tilespmem:s30+$0x4530]  }
0xac: {  	v19 =	vld [tilespmem:s30+$0x500]  }
0xad: {  	v54 =	vld [tilespmem:s30+$0x4500]  }
0xae: {  	v55 =	vld [tilespmem:s30+$0x510]  }
0xaf: {  	v56 =	vld [tilespmem:s30+$0x4510]  }
0xb0: {  	v4 =	vld [tilespmem:s30+$0x4E0]  }
0xb1: {  	v57 =	vld [tilespmem:s30+$0x4C0]  }
0xb2: {  	v58 =	vld [tilespmem:s30+$0x44C0]  }
0xb3: {  	v59 =	vld [tilespmem:s30+$0x4D0]  }
0xb4: {  	v60 =	vld [tilespmem:s30+$0x44D0];
	v2 =	vmul.f32 v3, v2;
	v3 =	vmul.f32 v6, v5  }
0xb5: {  	v61 =	vld [tilespmem:s30+$0x4A0];
	v6 =	vmul.f32 v8, v7;
	v8 =	vmul.f32 v10, v9  }
0xb6: {  	v62 =	vld [tilespmem:s30+$0x44A0];
	v2 =	vadd.f32 v3, v2  }
0xb7: {  	v63 =	vld [tilespmem:s30+$0x4450];
	v9 =	vmul.f32 v14, v13;
	v3 =	vmul.f32 v12, v11;
	v6 =	vadd.f32 v8, v6  }
0xb8: {  	v5 =	vld [tilespmem:s30+$0x4B0];
	v8 =	vmul.f32 v16, v15;
	v11 =	vmul.f32 v18, v17;
	(xrf2) =	vadd.scan.msk.f32 $0xffff, v2  }
0xb9: {  	v10 =	vld [tilespmem:s30+$0x44B0];
	v2 =	vadd.f32 v9, v3;
	(xrf2) =	vadd.scan.msk.f32 $0xffff, v6  }
0xba: {  	v7 =	vld [tilespmem:s30+$0x480];
	v3 =	vadd.f32 v11, v8  }
0xbb: {  	v13 =	vld [tilespmem:s30+$0x460];
	(xrf2) =	vadd.scan.msk.f32 $0xffff, v2  }
0xbc: {  	v14 =	vld [tilespmem:s30+$0x4460];
	v2 =	vmul.f32 v54, v19;
	(xrf2) =	vadd.scan.msk.f32 $0xffff, v3;
	v3 =	vmul.f32 v56, v55  }
0xbd: {  	v16 =	vld [tilespmem:s30+$0x440]  }
0xbe: {  	v11 =	vld [tilespmem:s30+$0x4470];
	v3 =	vadd.f32 v3, v2  }
0xbf: {  	v12 =	vmul.f32 v58, v57;
	v15 =	vmul.f32 v60, v59;
	v6 =	vld [tilespmem:s30+$0x470]  }
0xc0: {  	v17 =	vld [tilespmem:s30+$0x4440];
	(xrf2) =	vadd.scan.msk.f32 $0xffff, v3  }
0xc1: {  	v18 =	vld [tilespmem:s30+$0x450];
	v15 =	vadd.f32 v15, v12  }
0xc2: {  	v8 =	vld [tilespmem:s30+$0x4400];
	v5 =	vmul.f32 v10, v5;
	v19 =	vmul.f32 v62, v61;
	v2, _, _ =	vpop (xrf2)  }
0xc3: {  	v9 =	vld [tilespmem:s30+$0x400];
	v3, _, _ =	vpop (xrf2);
	(xrf2) =	vadd.scan.msk.f32 $0xffff, v15  }
0xc4: {  	v12 =	vld [tilespmem:s30+$0x4410];
	v19 =	vadd.f32 v5, v19;
	v6 =	vmul.f32 v11, v6  }
0xc5: {  	v10 =	vld [tilespmem:s30+$0x410];
	v14 =	vmul.f32 v14, v13  }
0xc6: {  	v13 =	vld [tilespmem:s30+$0x4420];
	(xrf2) =	vadd.scan.msk.f32 $0xffff, v19  }
0xc7: {  	v11 =	vld [tilespmem:s30+$0x420];
	v15 =	vadd.f32 v6, v14;
	v5, _, _ =	vpop (xrf2)  }
0xc8: {  	s31 =	simm.s32 $0x1000;
	s29 =	simm.s32 $0x8400;
	v16 =	vmul.f32 v17, v16;
	v17 =	vmul.f32 v63, v18;
	v14 =	vld [tilespmem:s30+$0x430];
	v6, _, _ =	vpop (xrf2)  }
.LBB2_2:
0xc9: {  	p0 =	sne.s32 s31, $0xF800;
	v18 =	vld [tilespmem:s30+$0x4430];
	(xrf2) =	vadd.scan.msk.f32 $0xffff, v15  }
0xca: {  	v19 =	vadd.f32 v17, v16;
	v16 =	vld [tilespmem:s30+$0x4480];
	v17, _, _ =	vpop (xrf2)  }
0xcb: {  	v8 =	vmul.f32 v8, v9;
	v9 =	vmul.f32 v12, v10;
	v10 =	vld [tilespmem:s30+$0x490]  }
0xcc: {  	v12 =	vld [tilespmem:s30+$0x4490];
	(xrf2) =	vadd.scan.msk.f32 $0xffff, v19  }
0xcd: {  	v8 =	vadd.f32 v9, v8;
	v9 =	vld [tilespmem:s30+$0x44E0];
	v15, _, _ =	vpop (xrf2)  }
0xce: {  	v11 =	vmul.f32 v13, v11;
	v19 =	vmul.f32 v18, v14;
	v14 =	vld [tilespmem:s30+$0x4F0]  }
0xcf: {  	v18 =	vld [tilespmem:s30+$0x44F0];
	(xrf2) =	vadd.scan.msk.f32 $0xffff, v8  }
0xd0: {  	v8 =	vadd.f32 v19, v11;
	v11 =	vld [tilespmem:s30+$0x4540];
	v13, _, _ =	vpop (xrf2)  }
0xd1: {  	v7 =	vmul.f32 v16, v7;
	v19 =	vmul.f32 v12, v10;
	v12 =	vld [tilespmem:s30+$0x550]  }
0xd2: {  	v16 =	vld [tilespmem:s30+$0x4550];
	(xrf2) =	vadd.scan.msk.f32 $0xffff, v8  }
0xd3: {  	v7 =	vadd.f32 v19, v7;
	v8 =	vld [tilespmem:s30+$0x45A0];
	v10, _, _ =	vpop (xrf2)  }
0xd4: {  	v4 =	vmul.f32 v9, v4;
	v19 =	vmul.f32 v18, v14;
	v14 =	vld [tilespmem:s30+$0x5B0]  }
0xd5: {  	v18 =	vld [tilespmem:s30+$0x45B0];
	(xrf2) =	vadd.scan.msk.f32 $0xffff, v7  }
0xd6: {  	v4 =	vadd.f32 v19, v4;
	v7 =	vld [tilespmem:s30+$0x5E0];
	v9, _, _ =	vpop (xrf2)  }
0xd7: {  	v1 =	vmul.f32 v11, v1;
	v19 =	vmul.f32 v16, v12;
	v12 =	vld [tilespmem:s30+$0x45E0]  }
0xd8: {  	v16 =	vld [tilespmem:s30+$0x5F0];
	(xrf2) =	vadd.scan.msk.f32 $0xffff, v4  }
0xd9: {  	v1 =	vadd.f32 v19, v1;
	v4 =	vld [tilespmem:s30+$0x45F0];
	v11, _, _ =	vpop (xrf2)  }
0xda: {  	v0 =	vmul.f32 v8, v0;
	v8 =	vmul.f32 v18, v14  }
0xdb: {  	(xrf2) =	vadd.scan.msk.f32 $0xffff, v1  }
0xdc: {  	v0 =	vadd.f32 v8, v0;
	v1 =	vmul.f32 v12, v7;
	v7, _, _ =	vpop (xrf2)  }
0xdd: {  	v11 =	vbroadcast v11, $0xF;
	v7 =	vbroadcast v7, $0xF  }
0xde: {  	v9 =	vbroadcast v9, $0xF;
	v4 =	vmul.f32 v4, v16;
	(xrf2) =	vadd.scan.msk.f32 $0xffff, v0  }
0xdf: {  	v0 =	vsel vm0, v11, v7;
	v7 =	vbroadcast v10, $0xF;
	v8, _, _ =	vpop (xrf2)  }
0xe0: {  	v0 =	vsel vm1, v0, v9;
	v9 =	vbroadcast v8, $0xF;
	v1 =	vadd.f32 v4, v1  }
0xe1: {  	v4 =	vbroadcast v13, $0xF;
	v0 =	vsel vm2, v0, v7  }
0xe2: {  	v7 =	vbroadcast v15, $0xF;
	v0 =	vsel vm3, v0, v9;
	v8, _, _ =	vpop (xrf2);
	(xrf2) =	vadd.scan.msk.f32 $0xffff, v1  }
0xe3: {  	v0 =	vsel vm4, v0, v4;
	v1 =	vbroadcast v8, $0xF  }
0xe4: {  	v4 =	vbroadcast v17, $0xF;
	v0 =	vsel vm5, v0, v7  }
0xe5: {  	v0 =	vsel vm6, v0, v1;
	v1 =	vbroadcast v6, $0xF;
	v6, _, _ =	vpop (xrf2)  }
0xe6: {  	v0 =	vsel vm7, v0, v4;
	v6 =	vbroadcast v6, $0xF  }
0xe7: {  	v0 =	vsel vm8, v0, v1;
	v1 =	vbroadcast v5, $0xF  }
0xe8: {  	v3 =	vbroadcast v3, $0xF;
	v0 =	vsel vm9, v0, v6;
	v4, _, _ =	vpop (xrf2)  }
0xe9: {  	v0 =	vsel vm10, v0, v1;
	v4 =	vbroadcast v4, $0xF  }
0xea: {  	v2 =	vbroadcast v2, $0xF;
	v0 =	vsel vm11, v0, v3  }
0xeb: {  	v0 =	vsel vm12, v0, v4  }
0xec: {  	v0 =	vsel vm13, v0, v2;
	v1, _, _ =	vpop (xrf2)  }
0xed: {  	s29 =	sadd.s32 $0x10, s29;
	v0 =	vsel vm14, v0, v1  }
0xee: {  	s30 =	sshra.s32 s31, $0x2;
	[tilespmem:s29+$0x0] =	vst v0  }
0xef: {  	v2 =	vld [tilespmem:s30+$0x5C0]  }
0xf0: {  	v3 =	vld [tilespmem:s30+$0x45C0]  }
0xf1: {  	v5 =	vld [tilespmem:s30+$0x5D0]  }
0xf2: {  	v6 =	vld [tilespmem:s30+$0x45D0]  }
0xf3: {  	v0 =	vld [tilespmem:s30+$0x5A0]  }
0xf4: {  	v7 =	vld [tilespmem:s30+$0x580]  }
0xf5: {  	v8 =	vld [tilespmem:s30+$0x4580]  }
0xf6: {  	v9 =	vld [tilespmem:s30+$0x590]  }
0xf7: {  	v10 =	vld [tilespmem:s30+$0x4590]  }
0xf8: {  	v11 =	vld [tilespmem:s30+$0x560]  }
0xf9: {  	v12 =	vld [tilespmem:s30+$0x4560]  }
0xfa: {  	v13 =	vld [tilespmem:s30+$0x570]  }
0xfb: {  	v14 =	vld [tilespmem:s30+$0x4570]  }
0xfc: {  	v1 =	vld [tilespmem:s30+$0x540]  }
0xfd: {  	v15 =	vld [tilespmem:s30+$0x520]  }
0xfe: {  	v16 =	vld [tilespmem:s30+$0x4520]  }
0xff: {  	v17 =	vld [tilespmem:s30+$0x530]  }
0x100: {  	v18 =	vld [tilespmem:s30+$0x4530]  }
0x101: {  	v19 =	vld [tilespmem:s30+$0x500]  }
0x102: {  	v20 =	vld [tilespmem:s30+$0x4500]  }
0x103: {  	v21 =	vld [tilespmem:s30+$0x510]  }
0x104: {  	v22 =	vld [tilespmem:s30+$0x4510]  }
0x105: {  	v2 =	vmul.f32 v3, v2;
	v3 =	vmul.f32 v6, v5;
	v4 =	vld [tilespmem:s30+$0x4E0]  }
0x106: {  	v5 =	vld [tilespmem:s30+$0x4C0]  }
0x107: {  	v2 =	vadd.f32 v3, v2;
	v6 =	vld [tilespmem:s30+$0x44C0]  }
0x108: {  	v7 =	vmul.f32 v8, v7;
	v8 =	vmul.f32 v10, v9;
	v3 =	vld [tilespmem:s30+$0x4D0]  }
0x109: {  	v9 =	vld [tilespmem:s30+$0x44D0];
	(xrf2) =	vadd.scan.msk.f32 $0xffff, v2  }
0x10a: {  	v2 =	vadd.f32 v8, v7;
	v10 =	vld [tilespmem:s30+$0x4A0]  }
0x10b: {  	v7 =	vmul.f32 v12, v11;
	v8 =	vmul.f32 v14, v13;
	v23 =	vld [tilespmem:s30+$0x44A0]  }
0x10c: {  	v11 =	vld [tilespmem:s30+$0x4B0];
	(xrf2) =	vadd.scan.msk.f32 $0xffff, v2  }
0x10d: {  	v2 =	vadd.f32 v8, v7;
	v12 =	vld [tilespmem:s30+$0x44B0]  }
0x10e: {  	v13 =	vmul.f32 v18, v17;
	v8 =	vmul.f32 v16, v15;
	v7 =	vld [tilespmem:s30+$0x480]  }
0x10f: {  	v14 =	vld [tilespmem:s30+$0x460];
	(xrf2) =	vadd.scan.msk.f32 $0xffff, v2  }
0x110: {  	v24 =	vadd.f32 v13, v8;
	v15 =	vld [tilespmem:s30+$0x4460]  }
0x111: {  	v16 =	vmul.f32 v22, v21;
	v8 =	vmul.f32 v20, v19;
	v13 =	vld [tilespmem:s30+$0x470]  }
0x112: {  	v17 =	vld [tilespmem:s30+$0x4470];
	(xrf2) =	vadd.scan.msk.f32 $0xffff, v24  }
0x113: {  	v8 =	vadd.f32 v16, v8;
	v18 =	vld [tilespmem:s30+$0x440];
	v2, _, _ =	vpop (xrf2)  }
0x114: {  	v5 =	vmul.f32 v6, v5;
	v6 =	vmul.f32 v9, v3;
	v16 =	vld [tilespmem:s30+$0x4440]  }
0x115: {  	v19 =	vld [tilespmem:s30+$0x450];
	(xrf2) =	vadd.scan.msk.f32 $0xffff, v8  }
0x116: {  	v21 =	vadd.f32 v6, v5;
	v20 =	vld [tilespmem:s30+$0x4450];
	v3, _, _ =	vpop (xrf2)  }
0x117: {  	v6 =	vmul.f32 v23, v10;
	v11 =	vmul.f32 v12, v11;
	v8 =	vld [tilespmem:s30+$0x4400]  }
0x118: {  	v9 =	vld [tilespmem:s30+$0x400];
	(xrf2) =	vadd.scan.msk.f32 $0xffff, v21  }
.Ltmp0:
0x119: {  	v21 =	vadd.f32 v11, v6;
	v10 =	vld [tilespmem:s30+$0x410];
	v5, _, _ =	vpop (xrf2);
	(pc) =	sbr.rel @p0 .LBB2_2-.Ltmp0, $4  }
0x11a: {  	v14 =	vmul.f32 v15, v14;
	v15 =	vmul.f32 v17, v13;
	v12 =	vld [tilespmem:s30+$0x4410]  }
0x11b: {  	v11 =	vld [tilespmem:s30+$0x420];
	(xrf2) =	vadd.scan.msk.f32 $0xffff, v21  }
0x11c: {  	v15 =	vadd.f32 v15, v14;
	v13 =	vld [tilespmem:s30+$0x4420];
	v6, _, _ =	vpop (xrf2)  }
0x11d: {  	s31 =	sadd.s32 $0x800, s31;
	v16 =	vmul.f32 v16, v18;
	v17 =	vmul.f32 v20, v19;
	v14 =	vld [tilespmem:s30+$0x430]  }
0x11e: {  	v18 =	vld [tilespmem:s30+$0x4430]  }
0x11f: {  	v19 =	vld [tilespmem:s30+$0x4480]  }
0x120: {  	v20 =	vld [tilespmem:s30+$0x490]  }
0x121: {  	v21 =	vld [tilespmem:s30+$0x4490]  }
0x122: {  	v8 =	vmul.f32 v8, v9;
	v63 =	vld [tilespmem:s30+$0x44E0];
	v62 =	vmul.f32 v12, v10  }
0x123: {  	v24 =	vld [tilespmem:s30+$0x4F0];
	v22 =	vadd.f32 v17, v16;
	v11 =	vmul.f32 v13, v11;
	v23 =	vmul.f32 v18, v14  }
0x124: {  	(xrf2) =	vadd.scan.msk.f32 $0xffff, v15;
	v25 =	vld [tilespmem:s30+$0x44F0];
	v8 =	vadd.f32 v62, v8  }
0x125: {  	v26 =	vld [tilespmem:s30+$0x4540];
	(xrf2) =	vadd.scan.msk.f32 $0xffff, v22;
	v11 =	vadd.f32 v23, v11  }
0x126: {  	v28 =	vld [tilespmem:s30+$0x550];
	(xrf2) =	vadd.scan.msk.f32 $0xffff, v8;
	v7 =	vmul.f32 v19, v7;
	v27 =	vmul.f32 v21, v20  }
0x127: {  	v29 =	vld [tilespmem:s30+$0x4550];
	(xrf2) =	vadd.scan.msk.f32 $0xffff, v11  }
0x128: {  	v30 =	vld [tilespmem:s30+$0x45A0];
	v7 =	vadd.f32 v27, v7  }
0x129: {  	v31 =	vld [tilespmem:s30+$0x5B0];
	v4 =	vmul.f32 v63, v4;
	v9 =	vmul.f32 v25, v24  }
0x12a: {  	v32 =	vld [tilespmem:s30+$0x45B0];
	(xrf2) =	vadd.scan.msk.f32 $0xffff, v7  }
0x12b: {  	v34 =	vld [tilespmem:s30+$0x5E0];
	v33, _, _ =	vpop (xrf2);
	v4 =	vadd.f32 v9, v4  }
0x12c: {  	v37 =	vld [tilespmem:s30+$0x45E0];
	v35, _, _ =	vpop (xrf2);
	v1 =	vmul.f32 v26, v1;
	v36 =	vmul.f32 v29, v28  }
0x12d: {  	v39 =	vld [tilespmem:s30+$0x5F0];
	v38, _, _ =	vpop (xrf2);
	(xrf2) =	vadd.scan.msk.f32 $0xffff, v4  }
0x12e: {  	v41 =	vld [tilespmem:s30+$0x45F0];
	v1 =	vadd.f32 v36, v1;
	v40, _, _ =	vpop (xrf2)  }
0x12f: {  	v0 =	vmul.f32 v30, v0;
	v43 =	vmul.f32 v32, v31;
	v42, _, _ =	vpop (xrf2)  }
0x130: {  	(xrf2) =	vadd.scan.msk.f32 $0xffff, v1;
	v44, _, _ =	vpop (xrf2)  }
0x131: {  	v45 =	vmul.f32 v37, v34;
	v0 =	vadd.f32 v43, v0;
	v46, _, _ =	vpop (xrf2)  }
0x132: {  	v47 =	vbroadcast v44, $0xF;
	v8 =	vbroadcast v46, $0xF  }
0x133: {  	v49 =	vmul.f32 v41, v39;
	(xrf2) =	vadd.scan.msk.f32 $0xffff, v0;
	v48 =	vbroadcast v42, $0xF  }
0x134: {  	v4 =	vbroadcast v40, $0xF;
	v51, _, _ =	vpop (xrf2);
	v50 =	vsel vm0, v47, v8  }
0x135: {  	v1 =	vadd.f32 v49, v45;
	v8 =	vbroadcast v51, $0xF;
	v0 =	vsel vm1, v50, v48  }
0x136: {  	v52 =	vbroadcast v38, $0xF;
	v0 =	vsel vm2, v0, v4  }
0x137: {  	v53 =	vbroadcast v35, $0xF;
	v54, _, _ =	vpop (xrf2);
	(xrf2) =	vadd.scan.msk.f32 $0xffff, v1;
	v0 =	vsel vm3, v0, v8  }
0x138: {  	v55 =	vbroadcast v54, $0xF;
	v0 =	vsel vm4, v0, v52  }
0x139: {  	v56 =	vbroadcast v33, $0xF;
	v0 =	vsel vm5, v0, v53  }
0x13a: {  	v57 =	vbroadcast v6, $0xF;
	v58, _, _ =	vpop (xrf2);
	v0 =	vsel vm6, v0, v55  }
0x13b: {  	v59 =	vbroadcast v58, $0xF;
	v0 =	vsel vm7, v0, v56  }
0x13c: {  	v60 =	vbroadcast v5, $0xF;
	v0 =	vsel vm8, v0, v57  }
0x13d: {  	v3 =	vbroadcast v3, $0xF;
	v61, _, _ =	vpop (xrf2);
	v0 =	vsel vm9, v0, v59  }
0x13e: {  	v62 =	vbroadcast v61, $0xF;
	v0 =	vsel vm10, v0, v60  }
0x13f: {  	v2 =	vbroadcast v2, $0xF;
	v0 =	vsel vm11, v0, v3  }
0x140: {  	v0 =	vsel vm12, v0, v62  }
0x141: {  	s28 =	sadd.s32 $0x1, s28;
	v63, _, _ =	vpop (xrf2);
	v0 =	vsel vm13, v0, v2  }
0x142: {  	s29 =	sadd.s32 $0x10, s29;
	p0 =	sne.s32 s28, s8;
	v0 =	vsel vm14, v0, v63  }
.Ltmp1:
0x143: {  	[tilespmem:s29+$0x0] =	vst v0;
	(pc) =	sbr.rel @p0 .LBB2_1-.Ltmp1, $4  }
0x144: {  	[hbm4b:s7+s1] =	stream.linear.scatter [tilespmem:s26], [sflag:$0x2], $0x200, $0x38;
	[tilespmem:$0x8600] =	vst v63  }
0x145: {  	_ =	swait.ge [sflag:s9], $0x200  }
0x146: {  	[sflag:s9] =	ssyncset.done $0x0  }
0x147: {  	[sflag:s9] =	ssyncadd.s32 $0xFFFFFE00  }
0x148: {  	_ =	sfence.sel $0x180000  }
0x149: {  	[bflag:$0x0] =	sbarrier.arrive $0xFFFF  }
0x14a: {  	p0 =	sne.s32 s2, $0x0;
	_ =	strace $0x90000047  }
0x14b: {  	s0 =	sadd.s32 @!p0 $0x100000, s0;
	[bflag:$0x2] =	sbarrier.arrive $0xFFFF  }
0x14c: {  	[sflag:s0] =	ssyncadd.tile.s32 @!p0 $0x1;
	_ =	shalt  }
.Lfunc_end2:
_tile_overlayer_lowered:
.L_overlay_start_2:
0x14d: {  	(tag) =	ssettag $0x2  }
0x14e: {  	s0 =	rddreg [dreg:$0x0];
	s2 =	stileid.u32  }
0x14f: {  	s1 =	rddreg [dreg:$0x1];
	p0 =	sne.s32 s2, $0x0  }
0x150: {  	s3 =	rddreg [dreg:$0x2];
	[bflag:$0x3] =	sbarrier.arrive $0xFFFF;
	s2 =	simm.s32 @!p0 $0x1C02  }
0x151: {  	[timem:s3], [sflag:s2] =	dma.local @!p0 [hbm:s0], s1  }
0x152: {  	s0 =	simm.s32 @!p0 $0x2  }
0x153: {  	_ =	swait.ge @!p0 [sflag:s0], s1  }
0x154: {  	s1 =	ssub.s32 @!p0 $0x0, s1;
	[sflag:s0] =	ssyncset.done @!p0 $0x0  }
0x155: {  	[sflag:s0] =	ssyncadd.s32 @!p0 s1  }
0x156: {  	[bflag:$0x3] =	sbarrier.arrive $0xFFFF  }
0x157: {  	_ =	shalt  }

</sc_bundles>
